<compile_context>
chip_gen: v7x
topology: tpu7x:2x2x1
jax: 0.10.2.dev20260603
libtpu: 0.0.44.dev20260713+nightly
codegen_flags: <defaults>
</compile_context>

<pallas_src>
import functools
import math

import jax
import jax.numpy as jnp
from jax import lax
from jax.experimental import pallas as pl
from jax.experimental.pallas import tpu as pltpu
from jax.experimental.pallas import tpu_sc as plsc

_D = 64
_NC, _NS = 2, 16
_NW = _NC * _NS
_LANES = 16
_SCALE = math.sqrt(_D)


@functools.partial(jax.jit, static_argnames=("B", "C"))
def _embed_lookup(tokens_flat, table, *, B, C):
    b_per_w = B // _NW
    nchunks = b_per_w // C
    assert nchunks % 2 == 0
    mesh = plsc.VectorSubcoreMesh(
        core_axis_name="c", subcore_axis_name="s",
        num_cores=_NC, num_subcores=_NS)

    @functools.partial(
        pl.kernel,
        out_type=jax.ShapeDtypeStruct((B, _D), jnp.float32),
        mesh=mesh,
        compiler_params=pltpu.CompilerParams(use_tc_tiling_on_sc=False),
        scratch_types=[
            pltpu.VMEM((2, C), jnp.int32),
            pltpu.VMEM((2, C, _D), jnp.float32),
            pltpu.SemaphoreType.DMA,
            pltpu.SemaphoreType.DMA,
            pltpu.SemaphoreType.DMA,
            pltpu.SemaphoreType.DMA,
        ],
    )
    def k(tokens_hbm, table_hbm, out_hbm, idx_v, rows_v, gs0, gs1, os0, os1):
        gsems = (gs0, gs1)
        osems = (os0, os1)
        wid = lax.axis_index("s") * _NC + lax.axis_index("c")
        base = wid * b_per_w

        def start_gather(buf, g, gsem):
            off = base + g * C
            pltpu.sync_copy(tokens_hbm.at[pl.ds(off, C)], idx_v.at[buf])
            pltpu.async_copy(table_hbm.at[idx_v.at[buf]], rows_v.at[buf], gsem)

        start_gather(0, 0, gs0)

        @pl.loop(0, nchunks, step=2)
        def _outer(G):
            for b in range(2):
                g = G + b
                nb = 1 - b

                @pl.when(g + 1 < nchunks)
                def _start_next():
                    @pl.when(g >= 1)
                    def _drain():
                        pltpu.make_async_copy(
                            rows_v.at[nb], out_hbm.at[pl.ds(base, C)],
                            osems[nb]).wait()
                    start_gather(nb, g + 1, gsems[nb])

                pltpu.make_async_copy(
                    table_hbm.at[idx_v.at[b]], rows_v.at[b], gsems[b]).wait()

                @pl.loop(0, C, unroll=8)
                def _scale(r):
                    for j in range(_D // _LANES):
                        sl = pl.ds(j * _LANES, _LANES)
                        rows_v[b, r, sl] = rows_v[b, r, sl] * _SCALE

                pltpu.async_copy(
                    rows_v.at[b], out_hbm.at[pl.ds(base + g * C, C)], osems[b])

        pltpu.make_async_copy(
            rows_v.at[0], out_hbm.at[pl.ds(base, C)], os0).wait()
        pltpu.make_async_copy(
            rows_v.at[1], out_hbm.at[pl.ds(base, C)], os1).wait()

    return k(tokens_flat, table)


def kernel(tokens, table):
    B = tokens.shape[0] * tokens.shape[1]
    flat = tokens.reshape(B).astype(jnp.int32)
    out = _embed_lookup(flat, table, B=B, C=512)
    return out.reshape(tokens.shape[0], tokens.shape[1], _D)

# --- scband reference (transcript-rebuilt; emitter-appended) ---
"""Pipeline reference for scband-token-embedding-48713519071576 (READ-ONLY COPY).

The authoritative reference and input builder live on the scoring server;
editing this copy changes nothing except your own understanding.
"""

import jax, jax.numpy as jnp
import numpy as np
import math

VOCAB_SIZE = 1000000
EMB_SIZE = 64
BATCH = 16384
HIST = 200

def setup_inputs(seed: int = 0) -> dict:
    key = jax.random.key(seed)
    k1, k2 = jax.random.split(key)
    tokens = jax.random.randint(k1, (BATCH, HIST), 0, VOCAB_SIZE, dtype=jnp.int64 if jax.config.jax_enable_x64 else jnp.int32)
    table = jax.random.normal(k2, (VOCAB_SIZE, EMB_SIZE), dtype=jnp.float32)
    return {"tokens": tokens, "table": table}

def reference(tokens, table):
    # TokenEmbedding.forward: embedding lookup scaled by sqrt(emb_size)
    emb = jnp.take(table, tokens, axis=0)
    return emb * math.sqrt(EMB_SIZE)

if __name__ == "__main__":
    import jax
    _d = setup_inputs()
    print(jax.jit(kernel)(*tuple(_d.values())))

</pallas_src>

<mosaic_0001>
#map = affine_map<(d0, d1) -> (0)>
#map1 = affine_map<(d0, d1) -> (0, 0)>
module attributes {stable_mosaic.version = 14 : i64} {
  func.func @k(%arg0: i32, %arg1: i32, %arg2: memref<3276800xi32, #tpu.memory_space<hbm>>, %arg3: memref<1000000x64xf32, #tpu.memory_space<hbm>>, %arg4: memref<3276800x64xf32, #tpu.memory_space<hbm>>, %arg5: memref<2x512xi32, #tpu.memory_space<vmem>>, %arg6: memref<2x512x64xf32, #tpu.memory_space<vmem>>, %arg7: memref<!tpu.dma_semaphore, #tpu.memory_space<semaphore_mem>>, %arg8: memref<!tpu.dma_semaphore, #tpu.memory_space<semaphore_mem>>, %arg9: memref<!tpu.dma_semaphore, #tpu.memory_space<semaphore_mem>>, %arg10: memref<!tpu.dma_semaphore, #tpu.memory_space<semaphore_mem>>) attributes {dimension_semantics = [#tpu.dimension_semantics<core_parallel>, #tpu.dimension_semantics<subcore_parallel>], iteration_bounds = array<i64: 2, 16>, scalar_prefetch = 0 : i64, scratch_operands = 6 : i64, tpu.core_type = #tpu.core_type<sc_vector_subcore>, window_params = [{transform_indices = #map}, {transform_indices = #map1}, {transform_indices = #map1}]} {
    %mul3A = arith.constant 2 : i32
    %mul3A_0 = arith.muli %arg1, %mul3A : i32
    %add3A = arith.addi %mul3A_0, %arg0 : i32
    %mul3A_1 = arith.constant 102400 : i32
    %mul3A_2 = arith.muli %add3A, %mul3A_1 : i32
    %add3A_3 = arith.constant 0 : i32
    %add3A_4 = arith.addi %mul3A_2, %add3A_3 : i32
    %run_scoped3A = arith.constant 0 : i32
    "tpu.region"() ({
      %run_scoped3A_45 = tpu.sem_alloc : memref<!tpu.dma_semaphore, #tpu.memory_space<semaphore_mem>>
      %dma_start3A_46 = arith.constant 0 : i32
      %dma_start3A_47 = tpu.memref_slice %arg5[%run_scoped3A, %dma_start3A_46] : memref<2x512xi32, #tpu.memory_space<vmem>> -> memref<1x512xi32, #tpu.memory_space<vmem>>
      %dma_start3A_48 = tpu.memref_squeeze %dma_start3A_47 : memref<1x512xi32, #tpu.memory_space<vmem>> -> memref<512xi32, #tpu.memory_space<vmem>>
      %dma_start3A_49 = tpu.memref_slice %arg2[%add3A_4] : memref<3276800xi32, #tpu.memory_space<hbm>> -> memref<512xi32, #tpu.memory_space<hbm>>
      %dma_start3A_50 = arith.constant 0 : i32
      %dma_start3A_51 = tpu.memref_slice %arg5[%run_scoped3A, %dma_start3A_50] : memref<2x512xi32, #tpu.memory_space<vmem>> -> memref<1x512xi32, #tpu.memory_space<vmem>>
      %dma_start3A_52 = tpu.memref_squeeze %dma_start3A_51 : memref<1x512xi32, #tpu.memory_space<vmem>> -> memref<512xi32, #tpu.memory_space<vmem>>
      %dma_start3A_53 = tpu.memref_slice %arg2[%add3A_4] : memref<3276800xi32, #tpu.memory_space<hbm>> -> memref<512xi32, #tpu.memory_space<hbm>>
      tpu.enqueue_dma source(%dma_start3A_53 : memref<512xi32, #tpu.memory_space<hbm>>) target(%dma_start3A_52 : memref<512xi32, #tpu.memory_space<vmem>>) target_semaphore(%run_scoped3A_45 : memref<!tpu.dma_semaphore, #tpu.memory_space<semaphore_mem>>)
      %dma_wait3A_54 = arith.constant 0 : i32
      %dma_wait3A_55 = tpu.memref_slice %arg5[%run_scoped3A, %dma_wait3A_54] : memref<2x512xi32, #tpu.memory_space<vmem>> -> memref<1x512xi32, #tpu.memory_space<vmem>>
      %dma_wait3A_56 = tpu.memref_squeeze %dma_wait3A_55 : memref<1x512xi32, #tpu.memory_space<vmem>> -> memref<512xi32, #tpu.memory_space<vmem>>
      %dma_wait3A_57 = tpu.memref_slice %arg2[%add3A_4] : memref<3276800xi32, #tpu.memory_space<hbm>> -> memref<512xi32, #tpu.memory_space<hbm>>
      %dma_wait3A_58 = arith.constant 0 : i32
      %dma_wait3A_59 = tpu.memref_slice %arg5[%run_scoped3A, %dma_wait3A_58] : memref<2x512xi32, #tpu.memory_space<vmem>> -> memref<1x512xi32, #tpu.memory_space<vmem>>
      %dma_wait3A_60 = tpu.memref_squeeze %dma_wait3A_59 : memref<1x512xi32, #tpu.memory_space<vmem>> -> memref<512xi32, #tpu.memory_space<vmem>>
      %dma_wait3A_61 = tpu.memref_slice %arg2[%add3A_4] : memref<3276800xi32, #tpu.memory_space<hbm>> -> memref<512xi32, #tpu.memory_space<hbm>>
      tpu.wait_dma2 semaphore(%run_scoped3A_45 : memref<!tpu.dma_semaphore, #tpu.memory_space<semaphore_mem>>) src(%dma_wait3A_61 : memref<512xi32, #tpu.memory_space<hbm>>) dst(%dma_wait3A_60 : memref<512xi32, #tpu.memory_space<vmem>>)
      tpu.yield
    }) : () -> ()
    %dma_start3A = arith.constant 0 : i32
    %dma_start3A_5 = arith.constant 0 : i32
    %dma_start3A_6 = arith.constant 0 : i32
    %dma_start3A_7 = arith.constant 0 : i32
    %dma_start3A_8 = tpu.memref_slice %arg6[%dma_start3A_5, %dma_start3A_6, %dma_start3A_7] : memref<2x512x64xf32, #tpu.memory_space<vmem>> -> memref<1x512x64xf32, #tpu.memory_space<vmem>>
    %dma_start3A_9 = tpu.memref_squeeze %dma_start3A_8 : memref<1x512x64xf32, #tpu.memory_space<vmem>> -> memref<512x64xf32, #tpu.memory_space<vmem>>
    %dma_start3A_10 = arith.constant 0 : i32
    %dma_start3A_11 = tpu.memref_slice %arg5[%dma_start3A, %dma_start3A_10] : memref<2x512xi32, #tpu.memory_space<vmem>> -> memref<1x512xi32, #tpu.memory_space<vmem>>
    %dma_start3A_12 = tpu.memref_squeeze %dma_start3A_11 : memref<1x512xi32, #tpu.memory_space<vmem>> -> memref<512xi32, #tpu.memory_space<vmem>>
    %dma_start3A_13 = arith.constant 0 : i32
    %dma_start3A_14 = arith.constant 0 : i32
    %dma_start3A_15 = tpu.memref_slice %arg3[%dma_start3A_13, %dma_start3A_14] : memref<1000000x64xf32, #tpu.memory_space<hbm>> -> memref<1000000x64xf32, #tpu.memory_space<hbm>>
    tpu.enqueue_indirect_dma source(%dma_start3A_15 : memref<1000000x64xf32, #tpu.memory_space<hbm>>) target(%dma_start3A_9 : memref<512x64xf32, #tpu.memory_space<vmem>>) offsets(%dma_start3A_12 : memref<512xi32, #tpu.memory_space<vmem>>) semaphore(%arg7 : memref<!tpu.dma_semaphore, #tpu.memory_space<semaphore_mem>>)
    %scan3A = arith.constant 0 : i32
    %scan3A_16 = arith.constant 100 : i32
    %scan3A_17 = arith.addi %scan3A, %scan3A_16 : i32
    %scan3A_18 = arith.constant 1 : i32
    scf.for %scan3A_45 = %scan3A to %scan3A_17 step %scan3A_18  : i32 {
      %mul3A_46 = arith.constant 2 : i32
      %mul3A_47 = arith.muli %scan3A_45, %mul3A_46 : i32
      %add3A_48 = arith.constant 0 : i32
      %add3A_49 = arith.addi %add3A_48, %mul3A_47 : i32
      %add3A_50 = arith.constant 0 : i32
      %add3A_51 = arith.addi %add3A_49, %add3A_50 : i32
      %add3A_52 = arith.constant 1 : i32
      %add3A_53 = arith.addi %add3A_51, %add3A_52 : i32
      %lt3A = arith.constant 200 : i32
      %lt3A_54 = arith.cmpi slt, %add3A_53, %lt3A : i32
      %convert_element_type3A = arith.extui %lt3A_54 : i1 to i32
      %cond3A = arith.constant 0 : i32
      %cond3A_55 = arith.cmpi ne, %convert_element_type3A, %cond3A : i32
      scf.if %cond3A_55 {
        %ge3A = arith.constant 1 : i32
        %ge3A_131 = arith.cmpi sge, %add3A_51, %ge3A : i32
        %convert_element_type3A_132 = arith.extui %ge3A_131 : i1 to i32
        %cond3A_133 = arith.constant 0 : i32
        %cond3A_134 = arith.cmpi ne, %convert_element_type3A_132, %cond3A_133 : i32
        scf.if %cond3A_134 {
          %dma_wait3A_153 = arith.constant 1 : i32
          %dma_wait3A_154 = arith.constant 0 : i32
          %dma_wait3A_155 = arith.constant 0 : i32
          %dma_wait3A_156 = tpu.memref_slice %arg6[%dma_wait3A_153, %dma_wait3A_154, %dma_wait3A_155] : memref<2x512x64xf32, #tpu.memory_space<vmem>> -> memref<1x512x64xf32, #tpu.memory_space<vmem>>
          %dma_wait3A_157 = tpu.memref_squeeze %dma_wait3A_156 : memref<1x512x64xf32, #tpu.memory_space<vmem>> -> memref<512x64xf32, #tpu.memory_space<vmem>>
          %dma_wait3A_158 = arith.constant 0 : i32
          %dma_wait3A_159 = tpu.memref_slice %arg4[%mul3A_2, %dma_wait3A_158] : memref<3276800x64xf32, #tpu.memory_space<hbm>> -> memref<512x64xf32, #tpu.memory_space<hbm>>
          %dma_wait3A_160 = arith.constant 0 : i32
          %dma_wait3A_161 = tpu.memref_slice %arg4[%mul3A_2, %dma_wait3A_160] : memref<3276800x64xf32, #tpu.memory_space<hbm>> -> memref<512x64xf32, #tpu.memory_space<hbm>>
          %dma_wait3A_162 = arith.constant 0 : i32
          %dma_wait3A_163 = arith.constant 0 : i32
          %dma_wait3A_164 = tpu.memref_slice %arg6[%dma_wait3A_153, %dma_wait3A_162, %dma_wait3A_163] : memref<2x512x64xf32, #tpu.memory_space<vmem>> -> memref<1x512x64xf32, #tpu.memory_space<vmem>>
          %dma_wait3A_165 = tpu.memref_squeeze %dma_wait3A_164 : memref<1x512x64xf32, #tpu.memory_space<vmem>> -> memref<512x64xf32, #tpu.memory_space<vmem>>
          tpu.wait_dma2 semaphore(%arg10 : memref<!tpu.dma_semaphore, #tpu.memory_space<semaphore_mem>>) src(%dma_wait3A_165 : memref<512x64xf32, #tpu.memory_space<vmem>>) dst(%dma_wait3A_161 : memref<512x64xf32, #tpu.memory_space<hbm>>)
        } else {
        }
        %add3A_135 = arith.constant 1 : i32
        %add3A_136 = arith.addi %add3A_51, %add3A_135 : i32
        %mul3A_137 = arith.constant 512 : i32
        %mul3A_138 = arith.muli %add3A_136, %mul3A_137 : i32
        %add3A_139 = arith.addi %mul3A_2, %mul3A_138 : i32
        %run_scoped3A_140 = arith.constant 1 : i32
        "tpu.region"() ({
          %run_scoped3A_153 = tpu.sem_alloc : memref<!tpu.dma_semaphore, #tpu.memory_space<semaphore_mem>>
          %dma_start3A_154 = arith.constant 0 : i32
          %dma_start3A_155 = tpu.memref_slice %arg5[%run_scoped3A_140, %dma_start3A_154] : memref<2x512xi32, #tpu.memory_space<vmem>> -> memref<1x512xi32, #tpu.memory_space<vmem>>
          %dma_start3A_156 = tpu.memref_squeeze %dma_start3A_155 : memref<1x512xi32, #tpu.memory_space<vmem>> -> memref<512xi32, #tpu.memory_space<vmem>>
          %dma_start3A_157 = tpu.memref_slice %arg2[%add3A_139] : memref<3276800xi32, #tpu.memory_space<hbm>> -> memref<512xi32, #tpu.memory_space<hbm>>
          %dma_start3A_158 = arith.constant 0 : i32
          %dma_start3A_159 = tpu.memref_slice %arg5[%run_scoped3A_140, %dma_start3A_158] : memref<2x512xi32, #tpu.memory_space<vmem>> -> memref<1x512xi32, #tpu.memory_space<vmem>>
          %dma_start3A_160 = tpu.memref_squeeze %dma_start3A_159 : memref<1x512xi32, #tpu.memory_space<vmem>> -> memref<512xi32, #tpu.memory_space<vmem>>
          %dma_start3A_161 = tpu.memref_slice %arg2[%add3A_139] : memref<3276800xi32, #tpu.memory_space<hbm>> -> memref<512xi32, #tpu.memory_space<hbm>>
          tpu.enqueue_dma source(%dma_start3A_161 : memref<512xi32, #tpu.memory_space<hbm>>) target(%dma_start3A_160 : memref<512xi32, #tpu.memory_space<vmem>>) target_semaphore(%run_scoped3A_153 : memref<!tpu.dma_semaphore, #tpu.memory_space<semaphore_mem>>)
          %dma_wait3A_162 = arith.constant 0 : i32
          %dma_wait3A_163 = tpu.memref_slice %arg5[%run_scoped3A_140, %dma_wait3A_162] : memref<2x512xi32, #tpu.memory_space<vmem>> -> memref<1x512xi32, #tpu.memory_space<vmem>>
          %dma_wait3A_164 = tpu.memref_squeeze %dma_wait3A_163 : memref<1x512xi32, #tpu.memory_space<vmem>> -> memref<512xi32, #tpu.memory_space<vmem>>
          %dma_wait3A_165 = tpu.memref_slice %arg2[%add3A_139] : memref<3276800xi32, #tpu.memory_space<hbm>> -> memref<512xi32, #tpu.memory_space<hbm>>
          %dma_wait3A_166 = arith.constant 0 : i32
          %dma_wait3A_167 = tpu.memref_slice %arg5[%run_scoped3A_140, %dma_wait3A_166] : memref<2x512xi32, #tpu.memory_space<vmem>> -> memref<1x512xi32, #tpu.memory_space<vmem>>
          %dma_wait3A_168 = tpu.memref_squeeze %dma_wait3A_167 : memref<1x512xi32, #tpu.memory_space<vmem>> -> memref<512xi32, #tpu.memory_space<vmem>>
          %dma_wait3A_169 = tpu.memref_slice %arg2[%add3A_139] : memref<3276800xi32, #tpu.memory_space<hbm>> -> memref<512xi32, #tpu.memory_space<hbm>>
          tpu.wait_dma2 semaphore(%run_scoped3A_153 : memref<!tpu.dma_semaphore, #tpu.memory_space<semaphore_mem>>) src(%dma_wait3A_169 : memref<512xi32, #tpu.memory_space<hbm>>) dst(%dma_wait3A_168 : memref<512xi32, #tpu.memory_space<vmem>>)
          tpu.yield
        }) : () -> ()
        %dma_start3A_141 = arith.constant 1 : i32
        %dma_start3A_142 = arith.constant 1 : i32
        %dma_start3A_143 = arith.constant 0 : i32
        %dma_start3A_144 = arith.constant 0 : i32
        %dma_start3A_145 = tpu.memref_slice %arg6[%dma_start3A_142, %dma_start3A_143, %dma_start3A_144] : memref<2x512x64xf32, #tpu.memory_space<vmem>> -> memref<1x512x64xf32, #tpu.memory_space<vmem>>
        %dma_start3A_146 = tpu.memref_squeeze %dma_start3A_145 : memref<1x512x64xf32, #tpu.memory_space<vmem>> -> memref<512x64xf32, #tpu.memory_space<vmem>>
        %dma_start3A_147 = arith.constant 0 : i32
        %dma_start3A_148 = tpu.memref_slice %arg5[%dma_start3A_141, %dma_start3A_147] : memref<2x512xi32, #tpu.memory_space<vmem>> -> memref<1x512xi32, #tpu.memory_space<vmem>>
        %dma_start3A_149 = tpu.memref_squeeze %dma_start3A_148 : memref<1x512xi32, #tpu.memory_space<vmem>> -> memref<512xi32, #tpu.memory_space<vmem>>
        %dma_start3A_150 = arith.constant 0 : i32
        %dma_start3A_151 = arith.constant 0 : i32
        %dma_start3A_152 = tpu.memref_slice %arg3[%dma_start3A_150, %dma_start3A_151] : memref<1000000x64xf32, #tpu.memory_space<hbm>> -> memref<1000000x64xf32, #tpu.memory_space<hbm>>
        tpu.enqueue_indirect_dma source(%dma_start3A_152 : memref<1000000x64xf32, #tpu.memory_space<hbm>>) target(%dma_start3A_146 : memref<512x64xf32, #tpu.memory_space<vmem>>) offsets(%dma_start3A_149 : memref<512xi32, #tpu.memory_space<vmem>>) semaphore(%arg8 : memref<!tpu.dma_semaphore, #tpu.memory_space<semaphore_mem>>)
      } else {
      }
      %dma_wait3A_56 = arith.constant 0 : i32
      %dma_wait3A_57 = arith.constant 0 : i32
      %dma_wait3A_58 = arith.constant 0 : i32
      %dma_wait3A_59 = arith.constant 0 : i32
      %dma_wait3A_60 = tpu.memref_slice %arg6[%dma_wait3A_57, %dma_wait3A_58, %dma_wait3A_59] : memref<2x512x64xf32, #tpu.memory_space<vmem>> -> memref<1x512x64xf32, #tpu.memory_space<vmem>>
      %dma_wait3A_61 = tpu.memref_squeeze %dma_wait3A_60 : memref<1x512x64xf32, #tpu.memory_space<vmem>> -> memref<512x64xf32, #tpu.memory_space<vmem>>
      %dma_wait3A_62 = arith.constant 0 : i32
      %dma_wait3A_63 = tpu.memref_slice %arg5[%dma_wait3A_56, %dma_wait3A_62] : memref<2x512xi32, #tpu.memory_space<vmem>> -> memref<1x512xi32, #tpu.memory_space<vmem>>
      %dma_wait3A_64 = tpu.memref_squeeze %dma_wait3A_63 : memref<1x512xi32, #tpu.memory_space<vmem>> -> memref<512xi32, #tpu.memory_space<vmem>>
      %dma_wait3A_65 = arith.constant 0 : i32
      %dma_wait3A_66 = arith.constant 0 : i32
      %dma_wait3A_67 = tpu.memref_slice %arg3[%dma_wait3A_65, %dma_wait3A_66] : memref<1000000x64xf32, #tpu.memory_space<hbm>> -> memref<1000000x64xf32, #tpu.memory_space<hbm>>
      tpu.wait_indirect_dma semaphore(%arg7 : memref<!tpu.dma_semaphore, #tpu.memory_space<semaphore_mem>>) src(%dma_wait3A_67 : memref<1000000x64xf32, #tpu.memory_space<hbm>>) dst(%dma_wait3A_61 : memref<512x64xf32, #tpu.memory_space<vmem>>)
      %scan3A_68 = arith.constant 0 : i32
      %scan3A_69 = arith.constant 512 : i32
      %scan3A_70 = arith.addi %scan3A_68, %scan3A_69 : i32
      %scan3A_71 = arith.constant 8 : i32
      scf.for %scan3A_131 = %scan3A_68 to %scan3A_70 step %scan3A_71  : i32 {
        %mul3A_132 = arith.constant 1 : i32
        %mul3A_133 = arith.muli %scan3A_131, %mul3A_132 : i32
        %add3A_134 = arith.constant 0 : i32
        %add3A_135 = arith.addi %add3A_134, %mul3A_133 : i32
        %get3A = arith.constant 0 : i32
        %get3A_136 = arith.index_cast %get3A : i32 to index
        %get3A_137 = arith.index_cast %add3A_135 : i32 to index
        %get3A_138 = arith.constant 0 : index
        %get3A_139 = tpu.vector_load %arg6[%get3A_136, %get3A_137, %get3A_138] {strides = array<i32>} : memref<2x512x64xf32, #tpu.memory_space<vmem>>, vector<1x1x16xf32>,
        %get3A_140 = vector.shape_cast %get3A_139 : vector<1x1x16xf32> to vector<16xf32>
        %mul3A_141 = arith.constant 8.000000e+00 : f32
        %mul3A_142 = vector.broadcast %mul3A_141 : f32 to vector<16xf32>
        %mul3A_143 = arith.mulf %get3A_140, %mul3A_142 : vector<16xf32>
        %swap3A = arith.constant 0 : i32
        %swap3A_144 = arith.index_cast %swap3A : i32 to index
        %swap3A_145 = arith.index_cast %add3A_135 : i32 to index
        %swap3A_146 = arith.constant 0 : index
        %swap3A_147 = tpu.vector_load %arg6[%swap3A_144, %swap3A_145, %swap3A_146] {strides = array<i32>} : memref<2x512x64xf32, #tpu.memory_space<vmem>>, vector<1x1x16xf32>,
        %swap3A_148 = vector.shape_cast %swap3A_147 : vector<1x1x16xf32> to vector<16xf32>
        %swap3A_149 = vector.shape_cast %mul3A_143 : vector<16xf32> to vector<1x1x16xf32>
        tpu.vector_store %arg6[%swap3A_144, %swap3A_145, %swap3A_146], %swap3A_149 {strides = array<i32>} : memref<2x512x64xf32, #tpu.memory_space<vmem>>, vector<1x1x16xf32>,
        %get3A_150 = arith.constant 0 : i32
        %get3A_151 = arith.index_cast %get3A_150 : i32 to index
        %get3A_152 = arith.index_cast %add3A_135 : i32 to index
        %get3A_153 = arith.constant 16 : index
        %get3A_154 = tpu.vector_load %arg6[%get3A_151, %get3A_152, %get3A_153] {strides = array<i32>} : memref<2x512x64xf32, #tpu.memory_space<vmem>>, vector<1x1x16xf32>,
        %get3A_155 = vector.shape_cast %get3A_154 : vector<1x1x16xf32> to vector<16xf32>
        %mul3A_156 = arith.constant 8.000000e+00 : f32
        %mul3A_157 = vector.broadcast %mul3A_156 : f32 to vector<16xf32>
        %mul3A_158 = arith.mulf %get3A_155, %mul3A_157 : vector<16xf32>
        %swap3A_159 = arith.constant 0 : i32
        %swap3A_160 = arith.index_cast %swap3A_159 : i32 to index
        %swap3A_161 = arith.index_cast %add3A_135 : i32 to index
        %swap3A_162 = arith.constant 16 : index
        %swap3A_163 = tpu.vector_load %arg6[%swap3A_160, %swap3A_161, %swap3A_162] {strides = array<i32>} : memref<2x512x64xf32, #tpu.memory_space<vmem>>, vector<1x1x16xf32>,
        %swap3A_164 = vector.shape_cast %swap3A_163 : vector<1x1x16xf32> to vector<16xf32>
        %swap3A_165 = vector.shape_cast %mul3A_158 : vector<16xf32> to vector<1x1x16xf32>
        tpu.vector_store %arg6[%swap3A_160, %swap3A_161, %swap3A_162], %swap3A_165 {strides = array<i32>} : memref<2x512x64xf32, #tpu.memory_space<vmem>>, vector<1x1x16xf32>,
        %get3A_166 = arith.constant 0 : i32
        %get3A_167 = arith.index_cast %get3A_166 : i32 to index
        %get3A_168 = arith.index_cast %add3A_135 : i32 to index
        %get3A_169 = arith.constant 32 : index
        %get3A_170 = tpu.vector_load %arg6[%get3A_167, %get3A_168, %get3A_169] {strides = array<i32>} : memref<2x512x64xf32, #tpu.memory_space<vmem>>, vector<1x1x16xf32>,
        %get3A_171 = vector.shape_cast %get3A_170 : vector<1x1x16xf32> to vector<16xf32>
        %mul3A_172 = arith.constant 8.000000e+00 : f32
        %mul3A_173 = vector.broadcast %mul3A_172 : f32 to vector<16xf32>
        %mul3A_174 = arith.mulf %get3A_171, %mul3A_173 : vector<16xf32>
        %swap3A_175 = arith.constant 0 : i32
        %swap3A_176 = arith.index_cast %swap3A_175 : i32 to index
        %swap3A_177 = arith.index_cast %add3A_135 : i32 to index
        %swap3A_178 = arith.constant 32 : index
        %swap3A_179 = tpu.vector_load %arg6[%swap3A_176, %swap3A_177, %swap3A_178] {strides = array<i32>} : memref<2x512x64xf32, #tpu.memory_space<vmem>>, vector<1x1x16xf32>,
        %swap3A_180 = vector.shape_cast %swap3A_179 : vector<1x1x16xf32> to vector<16xf32>
        %swap3A_181 = vector.shape_cast %mul3A_174 : vector<16xf32> to vector<1x1x16xf32>
        tpu.vector_store %arg6[%swap3A_176, %swap3A_177, %swap3A_178], %swap3A_181 {strides = array<i32>} : memref<2x512x64xf32, #tpu.memory_space<vmem>>, vector<1x1x16xf32>,
        %get3A_182 = arith.constant 0 : i32
        %get3A_183 = arith.index_cast %get3A_182 : i32 to index
        %get3A_184 = arith.index_cast %add3A_135 : i32 to index
        %get3A_185 = arith.constant 48 : index
        %get3A_186 = tpu.vector_load %arg6[%get3A_183, %get3A_184, %get3A_185] {strides = array<i32>} : memref<2x512x64xf32, #tpu.memory_space<vmem>>, vector<1x1x16xf32>,
        %get3A_187 = vector.shape_cast %get3A_186 : vector<1x1x16xf32> to vector<16xf32>
        %mul3A_188 = arith.constant 8.000000e+00 : f32
        %mul3A_189 = vector.broadcast %mul3A_188 : f32 to vector<16xf32>
        %mul3A_190 = arith.mulf %get3A_187, %mul3A_189 : vector<16xf32>
        %swap3A_191 = arith.constant 0 : i32
        %swap3A_192 = arith.index_cast %swap3A_191 : i32 to index
        %swap3A_193 = arith.index_cast %add3A_135 : i32 to index
        %swap3A_194 = arith.constant 48 : index
        %swap3A_195 = tpu.vector_load %arg6[%swap3A_192, %swap3A_193, %swap3A_194] {strides = array<i32>} : memref<2x512x64xf32, #tpu.memory_space<vmem>>, vector<1x1x16xf32>,
        %swap3A_196 = vector.shape_cast %swap3A_195 : vector<1x1x16xf32> to vector<16xf32>
        %swap3A_197 = vector.shape_cast %mul3A_190 : vector<16xf32> to vector<1x1x16xf32>
        tpu.vector_store %arg6[%swap3A_192, %swap3A_193, %swap3A_194], %swap3A_197 {strides = array<i32>} : memref<2x512x64xf32, #tpu.memory_space<vmem>>, vector<1x1x16xf32>,
        %scan3A_198 = arith.constant 1 : i32
        %scan3A_199 = arith.addi %scan3A_131, %scan3A_198 : i32
        %mul3A_200 = arith.constant 1 : i32
        %mul3A_201 = arith.muli %scan3A_199, %mul3A_200 : i32
        %add3A_202 = arith.constant 0 : i32
        %add3A_203 = arith.addi %add3A_202, %mul3A_201 : i32
        %get3A_204 = arith.constant 0 : i32
        %get3A_205 = arith.index_cast %get3A_204 : i32 to index
        %get3A_206 = arith.index_cast %add3A_203 : i32 to index
        %get3A_207 = arith.constant 0 : index
        %get3A_208 = tpu.vector_load %arg6[%get3A_205, %get3A_206, %get3A_207] {strides = array<i32>} : memref<2x512x64xf32, #tpu.memory_space<vmem>>, vector<1x1x16xf32>,
        %get3A_209 = vector.shape_cast %get3A_208 : vector<1x1x16xf32> to vector<16xf32>
        %mul3A_210 = arith.constant 8.000000e+00 : f32
        %mul3A_211 = vector.broadcast %mul3A_210 : f32 to vector<16xf32>
        %mul3A_212 = arith.mulf %get3A_209, %mul3A_211 : vector<16xf32>
        %swap3A_213 = arith.constant 0 : i32
        %swap3A_214 = arith.index_cast %swap3A_213 : i32 to index
        %swap3A_215 = arith.index_cast %add3A_203 : i32 to index
        %swap3A_216 = arith.constant 0 : index
        %swap3A_217 = tpu.vector_load %arg6[%swap3A_214, %swap3A_215, %swap3A_216] {strides = array<i32>} : memref<2x512x64xf32, #tpu.memory_space<vmem>>, vector<1x1x16xf32>,
        %swap3A_218 = vector.shape_cast %swap3A_217 : vector<1x1x16xf32> to vector<16xf32>
        %swap3A_219 = vector.shape_cast %mul3A_212 : vector<16xf32> to vector<1x1x16xf32>
        tpu.vector_store %arg6[%swap3A_214, %swap3A_215, %swap3A_216], %swap3A_219 {strides = array<i32>} : memref<2x512x64xf32, #tpu.memory_space<vmem>>, vector<1x1x16xf32>,
        %get3A_220 = arith.constant 0 : i32
        %get3A_221 = arith.index_cast %get3A_220 : i32 to index
        %get3A_222 = arith.index_cast %add3A_203 : i32 to index
        %get3A_223 = arith.constant 16 : index
        %get3A_224 = tpu.vector_load %arg6[%get3A_221, %get3A_222, %get3A_223] {strides = array<i32>} : memref<2x512x64xf32, #tpu.memory_space<vmem>>, vector<1x1x16xf32>,
        %get3A_225 = vector.shape_cast %get3A_224 : vector<1x1x16xf32> to vector<16xf32>
        %mul3A_226 = arith.constant 8.000000e+00 : f32
        %mul3A_227 = vector.broadcast %mul3A_226 : f32 to vector<16xf32>
        %mul3A_228 = arith.mulf %get3A_225, %mul3A_227 : vector<16xf32>
        %swap3A_229 = arith.constant 0 : i32
        %swap3A_230 = arith.index_cast %swap3A_229 : i32 to index
        %swap3A_231 = arith.index_cast %add3A_203 : i32 to index
        %swap3A_232 = arith.constant 16 : index
        %swap3A_233 = tpu.vector_load %arg6[%swap3A_230, %swap3A_231, %swap3A_232] {strides = array<i32>} : memref<2x512x64xf32, #tpu.memory_space<vmem>>, vector<1x1x16xf32>,
        %swap3A_234 = vector.shape_cast %swap3A_233 : vector<1x1x16xf32> to vector<16xf32>
        %swap3A_235 = vector.shape_cast %mul3A_228 : vector<16xf32> to vector<1x1x16xf32>
        tpu.vector_store %arg6[%swap3A_230, %swap3A_231, %swap3A_232], %swap3A_235 {strides = array<i32>} : memref<2x512x64xf32, #tpu.memory_space<vmem>>, vector<1x1x16xf32>,
        %get3A_236 = arith.constant 0 : i32
        %get3A_237 = arith.index_cast %get3A_236 : i32 to index
        %get3A_238 = arith.index_cast %add3A_203 : i32 to index
        %get3A_239 = arith.constant 32 : index
        %get3A_240 = tpu.vector_load %arg6[%get3A_237, %get3A_238, %get3A_239] {strides = array<i32>} : memref<2x512x64xf32, #tpu.memory_space<vmem>>, vector<1x1x16xf32>,
        %get3A_241 = vector.shape_cast %get3A_240 : vector<1x1x16xf32> to vector<16xf32>
        %mul3A_242 = arith.constant 8.000000e+00 : f32
        %mul3A_243 = vector.broadcast %mul3A_242 : f32 to vector<16xf32>
        %mul3A_244 = arith.mulf %get3A_241, %mul3A_243 : vector<16xf32>
        %swap3A_245 = arith.constant 0 : i32
        %swap3A_246 = arith.index_cast %swap3A_245 : i32 to index
        %swap3A_247 = arith.index_cast %add3A_203 : i32 to index
        %swap3A_248 = arith.constant 32 : index
        %swap3A_249 = tpu.vector_load %arg6[%swap3A_246, %swap3A_247, %swap3A_248] {strides = array<i32>} : memref<2x512x64xf32, #tpu.memory_space<vmem>>, vector<1x1x16xf32>,
        %swap3A_250 = vector.shape_cast %swap3A_249 : vector<1x1x16xf32> to vector<16xf32>
        %swap3A_251 = vector.shape_cast %mul3A_244 : vector<16xf32> to vector<1x1x16xf32>
        tpu.vector_store %arg6[%swap3A_246, %swap3A_247, %swap3A_248], %swap3A_251 {strides = array<i32>} : memref<2x512x64xf32, #tpu.memory_space<vmem>>, vector<1x1x16xf32>,
        %get3A_252 = arith.constant 0 : i32
        %get3A_253 = arith.index_cast %get3A_252 : i32 to index
        %get3A_254 = arith.index_cast %add3A_203 : i32 to index
        %get3A_255 = arith.constant 48 : index
        %get3A_256 = tpu.vector_load %arg6[%get3A_253, %get3A_254, %get3A_255] {strides = array<i32>} : memref<2x512x64xf32, #tpu.memory_space<vmem>>, vector<1x1x16xf32>,
        %get3A_257 = vector.shape_cast %get3A_256 : vector<1x1x16xf32> to vector<16xf32>
        %mul3A_258 = arith.constant 8.000000e+00 : f32
        %mul3A_259 = vector.broadcast %mul3A_258 : f32 to vector<16xf32>
        %mul3A_260 = arith.mulf %get3A_257, %mul3A_259 : vector<16xf32>
        %swap3A_261 = arith.constant 0 : i32
        %swap3A_262 = arith.index_cast %swap3A_261 : i32 to index
        %swap3A_263 = arith.index_cast %add3A_203 : i32 to index
        %swap3A_264 = arith.constant 48 : index
        %swap3A_265 = tpu.vector_load %arg6[%swap3A_262, %swap3A_263, %swap3A_264] {strides = array<i32>} : memref<2x512x64xf32, #tpu.memory_space<vmem>>, vector<1x1x16xf32>,
        %swap3A_266 = vector.shape_cast %swap3A_265 : vector<1x1x16xf32> to vector<16xf32>
        %swap3A_267 = vector.shape_cast %mul3A_260 : vector<16xf32> to vector<1x1x16xf32>
        tpu.vector_store %arg6[%swap3A_262, %swap3A_263, %swap3A_264], %swap3A_267 {strides = array<i32>} : memref<2x512x64xf32, #tpu.memory_space<vmem>>, vector<1x1x16xf32>,
        %scan3A_268 = arith.constant 2 : i32
        %scan3A_269 = arith.addi %scan3A_131, %scan3A_268 : i32
        %mul3A_270 = arith.constant 1 : i32
        %mul3A_271 = arith.muli %scan3A_269, %mul3A_270 : i32
        %add3A_272 = arith.constant 0 : i32
        %add3A_273 = arith.addi %add3A_272, %mul3A_271 : i32
        %get3A_274 = arith.constant 0 : i32
        %get3A_275 = arith.index_cast %get3A_274 : i32 to index
        %get3A_276 = arith.index_cast %add3A_273 : i32 to index
        %get3A_277 = arith.constant 0 : index
        %get3A_278 = tpu.vector_load %arg6[%get3A_275, %get3A_276, %get3A_277] {strides = array<i32>} : memref<2x512x64xf32, #tpu.memory_space<vmem>>, vector<1x1x16xf32>,
        %get3A_279 = vector.shape_cast %get3A_278 : vector<1x1x16xf32> to vector<16xf32>
        %mul3A_280 = arith.constant 8.000000e+00 : f32
        %mul3A_281 = vector.broadcast %mul3A_280 : f32 to vector<16xf32>
        %mul3A_282 = arith.mulf %get3A_279, %mul3A_281 : vector<16xf32>
        %swap3A_283 = arith.constant 0 : i32
        %swap3A_284 = arith.index_cast %swap3A_283 : i32 to index
        %swap3A_285 = arith.index_cast %add3A_273 : i32 to index
        %swap3A_286 = arith.constant 0 : index
        %swap3A_287 = tpu.vector_load %arg6[%swap3A_284, %swap3A_285, %swap3A_286] {strides = array<i32>} : memref<2x512x64xf32, #tpu.memory_space<vmem>>, vector<1x1x16xf32>,
        %swap3A_288 = vector.shape_cast %swap3A_287 : vector<1x1x16xf32> to vector<16xf32>
        %swap3A_289 = vector.shape_cast %mul3A_282 : vector<16xf32> to vector<1x1x16xf32>
        tpu.vector_store %arg6[%swap3A_284, %swap3A_285, %swap3A_286], %swap3A_289 {strides = array<i32>} : memref<2x512x64xf32, #tpu.memory_space<vmem>>, vector<1x1x16xf32>,
        %get3A_290 = arith.constant 0 : i32
        %get3A_291 = arith.index_cast %get3A_290 : i32 to index
        %get3A_292 = arith.index_cast %add3A_273 : i32 to index
        %get3A_293 = arith.constant 16 : index
        %get3A_294 = tpu.vector_load %arg6[%get3A_291, %get3A_292, %get3A_293] {strides = array<i32>} : memref<2x512x64xf32, #tpu.memory_space<vmem>>, vector<1x1x16xf32>,
        %get3A_295 = vector.shape_cast %get3A_294 : vector<1x1x16xf32> to vector<16xf32>
        %mul3A_296 = arith.constant 8.000000e+00 : f32
        %mul3A_297 = vector.broadcast %mul3A_296 : f32 to vector<16xf32>
        %mul3A_298 = arith.mulf %get3A_295, %mul3A_297 : vector<16xf32>
        %swap3A_299 = arith.constant 0 : i32
        %swap3A_300 = arith.index_cast %swap3A_299 : i32 to index
        %swap3A_301 = arith.index_cast %add3A_273 : i32 to index
        %swap3A_302 = arith.constant 16 : index
        %swap3A_303 = tpu.vector_load %arg6[%swap3A_300, %swap3A_301, %swap3A_302] {strides = array<i32>} : memref<2x512x64xf32, #tpu.memory_space<vmem>>, vector<1x1x16xf32>,
        %swap3A_304 = vector.shape_cast %swap3A_303 : vector<1x1x16xf32> to vector<16xf32>
        %swap3A_305 = vector.shape_cast %mul3A_298 : vector<16xf32> to vector<1x1x16xf32>
        tpu.vector_store %arg6[%swap3A_300, %swap3A_301, %swap3A_302], %swap3A_305 {strides = array<i32>} : memref<2x512x64xf32, #tpu.memory_space<vmem>>, vector<1x1x16xf32>,
        %get3A_306 = arith.constant 0 : i32
        %get3A_307 = arith.index_cast %get3A_306 : i32 to index
        %get3A_308 = arith.index_cast %add3A_273 : i32 to index
        %get3A_309 = arith.constant 32 : index
        %get3A_310 = tpu.vector_load %arg6[%get3A_307, %get3A_308, %get3A_309] {strides = array<i32>} : memref<2x512x64xf32, #tpu.memory_space<vmem>>, vector<1x1x16xf32>,
        %get3A_311 = vector.shape_cast %get3A_310 : vector<1x1x16xf32> to vector<16xf32>
        %mul3A_312 = arith.constant 8.000000e+00 : f32
        %mul3A_313 = vector.broadcast %mul3A_312 : f32 to vector<16xf32>
        %mul3A_314 = arith.mulf %get3A_311, %mul3A_313 : vector<16xf32>
        %swap3A_315 = arith.constant 0 : i32
        %swap3A_316 = arith.index_cast %swap3A_315 : i32 to index
        %swap3A_317 = arith.index_cast %add3A_273 : i32 to index
        %swap3A_318 = arith.constant 32 : index
        %swap3A_319 = tpu.vector_load %arg6[%swap3A_316, %swap3A_317, %swap3A_318] {strides = array<i32>} : memref<2x512x64xf32, #tpu.memory_space<vmem>>, vector<1x1x16xf32>,
        %swap3A_320 = vector.shape_cast %swap3A_319 : vector<1x1x16xf32> to vector<16xf32>
        %swap3A_321 = vector.shape_cast %mul3A_314 : vector<16xf32> to vector<1x1x16xf32>
        tpu.vector_store %arg6[%swap3A_316, %swap3A_317, %swap3A_318], %swap3A_321 {strides = array<i32>} : memref<2x512x64xf32, #tpu.memory_space<vmem>>, vector<1x1x16xf32>,
        %get3A_322 = arith.constant 0 : i32
        %get3A_323 = arith.index_cast %get3A_322 : i32 to index
        %get3A_324 = arith.index_cast %add3A_273 : i32 to index
        %get3A_325 = arith.constant 48 : index
        %get3A_326 = tpu.vector_load %arg6[%get3A_323, %get3A_324, %get3A_325] {strides = array<i32>} : memref<2x512x64xf32, #tpu.memory_space<vmem>>, vector<1x1x16xf32>,
        %get3A_327 = vector.shape_cast %get3A_326 : vector<1x1x16xf32> to vector<16xf32>
        %mul3A_328 = arith.constant 8.000000e+00 : f32
        %mul3A_329 = vector.broadcast %mul3A_328 : f32 to vector<16xf32>
        %mul3A_330 = arith.mulf %get3A_327, %mul3A_329 : vector<16xf32>
        %swap3A_331 = arith.constant 0 : i32
        %swap3A_332 = arith.index_cast %swap3A_331 : i32 to index
        %swap3A_333 = arith.index_cast %add3A_273 : i32 to index
        %swap3A_334 = arith.constant 48 : index
        %swap3A_335 = tpu.vector_load %arg6[%swap3A_332, %swap3A_333, %swap3A_334] {strides = array<i32>} : memref<2x512x64xf32, #tpu.memory_space<vmem>>, vector<1x1x16xf32>,
        %swap3A_336 = vector.shape_cast %swap3A_335 : vector<1x1x16xf32> to vector<16xf32>
        %swap3A_337 = vector.shape_cast %mul3A_330 : vector<16xf32> to vector<1x1x16xf32>
        tpu.vector_store %arg6[%swap3A_332, %swap3A_333, %swap3A_334], %swap3A_337 {strides = array<i32>} : memref<2x512x64xf32, #tpu.memory_space<vmem>>, vector<1x1x16xf32>,
        %scan3A_338 = arith.constant 3 : i32
        %scan3A_339 = arith.addi %scan3A_131, %scan3A_338 : i32
        %mul3A_340 = arith.constant 1 : i32
        %mul3A_341 = arith.muli %scan3A_339, %mul3A_340 : i32
        %add3A_342 = arith.constant 0 : i32
        %add3A_343 = arith.addi %add3A_342, %mul3A_341 : i32
        %get3A_344 = arith.constant 0 : i32
        %get3A_345 = arith.index_cast %get3A_344 : i32 to index
        %get3A_346 = arith.index_cast %add3A_343 : i32 to index
        %get3A_347 = arith.constant 0 : index
        %get3A_348 = tpu.vector_load %arg6[%get3A_345, %get3A_346, %get3A_347] {strides = array<i32>} : memref<2x512x64xf32, #tpu.memory_space<vmem>>, vector<1x1x16xf32>,
        %get3A_349 = vector.shape_cast %get3A_348 : vector<1x1x16xf32> to vector<16xf32>
        %mul3A_350 = arith.constant 8.000000e+00 : f32
        %mul3A_351 = vector.broadcast %mul3A_350 : f32 to vector<16xf32>
        %mul3A_352 = arith.mulf %get3A_349, %mul3A_351 : vector<16xf32>
        %swap3A_353 = arith.constant 0 : i32
        %swap3A_354 = arith.index_cast %swap3A_353 : i32 to index
        %swap3A_355 = arith.index_cast %add3A_343 : i32 to index
        %swap3A_356 = arith.constant 0 : index
        %swap3A_357 = tpu.vector_load %arg6[%swap3A_354, %swap3A_355, %swap3A_356] {strides = array<i32>} : memref<2x512x64xf32, #tpu.memory_space<vmem>>, vector<1x1x16xf32>,
        %swap3A_358 = vector.shape_cast %swap3A_357 : vector<1x1x16xf32> to vector<16xf32>
        %swap3A_359 = vector.shape_cast %mul3A_352 : vector<16xf32> to vector<1x1x16xf32>
        tpu.vector_store %arg6[%swap3A_354, %swap3A_355, %swap3A_356], %swap3A_359 {strides = array<i32>} : memref<2x512x64xf32, #tpu.memory_space<vmem>>, vector<1x1x16xf32>,
        %get3A_360 = arith.constant 0 : i32
        %get3A_361 = arith.index_cast %get3A_360 : i32 to index
        %get3A_362 = arith.index_cast %add3A_343 : i32 to index
        %get3A_363 = arith.constant 16 : index
        %get3A_364 = tpu.vector_load %arg6[%get3A_361, %get3A_362, %get3A_363] {strides = array<i32>} : memref<2x512x64xf32, #tpu.memory_space<vmem>>, vector<1x1x16xf32>,
        %get3A_365 = vector.shape_cast %get3A_364 : vector<1x1x16xf32> to vector<16xf32>
        %mul3A_366 = arith.constant 8.000000e+00 : f32
        %mul3A_367 = vector.broadcast %mul3A_366 : f32 to vector<16xf32>
        %mul3A_368 = arith.mulf %get3A_365, %mul3A_367 : vector<16xf32>
        %swap3A_369 = arith.constant 0 : i32
        %swap3A_370 = arith.index_cast %swap3A_369 : i32 to index
        %swap3A_371 = arith.index_cast %add3A_343 : i32 to index
        %swap3A_372 = arith.constant 16 : index
        %swap3A_373 = tpu.vector_load %arg6[%swap3A_370, %swap3A_371, %swap3A_372] {strides = array<i32>} : memref<2x512x64xf32, #tpu.memory_space<vmem>>, vector<1x1x16xf32>,
        %swap3A_374 = vector.shape_cast %swap3A_373 : vector<1x1x16xf32> to vector<16xf32>
        %swap3A_375 = vector.shape_cast %mul3A_368 : vector<16xf32> to vector<1x1x16xf32>
        tpu.vector_store %arg6[%swap3A_370, %swap3A_371, %swap3A_372], %swap3A_375 {strides = array<i32>} : memref<2x512x64xf32, #tpu.memory_space<vmem>>, vector<1x1x16xf32>,
        %get3A_376 = arith.constant 0 : i32
        %get3A_377 = arith.index_cast %get3A_376 : i32 to index
        %get3A_378 = arith.index_cast %add3A_343 : i32 to index
        %get3A_379 = arith.constant 32 : index
        %get3A_380 = tpu.vector_load %arg6[%get3A_377, %get3A_378, %get3A_379] {strides = array<i32>} : memref<2x512x64xf32, #tpu.memory_space<vmem>>, vector<1x1x16xf32>,
        %get3A_381 = vector.shape_cast %get3A_380 : vector<1x1x16xf32> to vector<16xf32>
        %mul3A_382 = arith.constant 8.000000e+00 : f32
        %mul3A_383 = vector.broadcast %mul3A_382 : f32 to vector<16xf32>
        %mul3A_384 = arith.mulf %get3A_381, %mul3A_383 : vector<16xf32>
        %swap3A_385 = arith.constant 0 : i32
        %swap3A_386 = arith.index_cast %swap3A_385 : i32 to index
        %swap3A_387 = arith.index_cast %add3A_343 : i32 to index
        %swap3A_388 = arith.constant 32 : index
        %swap3A_389 = tpu.vector_load %arg6[%swap3A_386, %swap3A_387, %swap3A_388] {strides = array<i32>} : memref<2x512x64xf32, #tpu.memory_space<vmem>>, vector<1x1x16xf32>,
        %swap3A_390 = vector.shape_cast %swap3A_389 : vector<1x1x16xf32> to vector<16xf32>
        %swap3A_391 = vector.shape_cast %mul3A_384 : vector<16xf32> to vector<1x1x16xf32>
        tpu.vector_store %arg6[%swap3A_386, %swap3A_387, %swap3A_388], %swap3A_391 {strides = array<i32>} : memref<2x512x64xf32, #tpu.memory_space<vmem>>, vector<1x1x16xf32>,
        %get3A_392 = arith.constant 0 : i32
        %get3A_393 = arith.index_cast %get3A_392 : i32 to index
        %get3A_394 = arith.index_cast %add3A_343 : i32 to index
        %get3A_395 = arith.constant 48 : index
        %get3A_396 = tpu.vector_load %arg6[%get3A_393, %get3A_394, %get3A_395] {strides = array<i32>} : memref<2x512x64xf32, #tpu.memory_space<vmem>>, vector<1x1x16xf32>,
        %get3A_397 = vector.shape_cast %get3A_396 : vector<1x1x16xf32> to vector<16xf32>
        %mul3A_398 = arith.constant 8.000000e+00 : f32
        %mul3A_399 = vector.broadcast %mul3A_398 : f32 to vector<16xf32>
        %mul3A_400 = arith.mulf %get3A_397, %mul3A_399 : vector<16xf32>
        %swap3A_401 = arith.constant 0 : i32
        %swap3A_402 = arith.index_cast %swap3A_401 : i32 to index
        %swap3A_403 = arith.index_cast %add3A_343 : i32 to index
        %swap3A_404 = arith.constant 48 : index
        %swap3A_405 = tpu.vector_load %arg6[%swap3A_402, %swap3A_403, %swap3A_404] {strides = array<i32>} : memref<2x512x64xf32, #tpu.memory_space<vmem>>, vector<1x1x16xf32>,
        %swap3A_406 = vector.shape_cast %swap3A_405 : vector<1x1x16xf32> to vector<16xf32>
        %swap3A_407 = vector.shape_cast %mul3A_400 : vector<16xf32> to vector<1x1x16xf32>
        tpu.vector_store %arg6[%swap3A_402, %swap3A_403, %swap3A_404], %swap3A_407 {strides = array<i32>} : memref<2x512x64xf32, #tpu.memory_space<vmem>>, vector<1x1x16xf32>,
        %scan3A_408 = arith.constant 4 : i32
        %scan3A_409 = arith.addi %scan3A_131, %scan3A_408 : i32
        %mul3A_410 = arith.constant 1 : i32
        %mul3A_411 = arith.muli %scan3A_409, %mul3A_410 : i32
        %add3A_412 = arith.constant 0 : i32
        %add3A_413 = arith.addi %add3A_412, %mul3A_411 : i32
        %get3A_414 = arith.constant 0 : i32
        %get3A_415 = arith.index_cast %get3A_414 : i32 to index
        %get3A_416 = arith.index_cast %add3A_413 : i32 to index
        %get3A_417 = arith.constant 0 : index
        %get3A_418 = tpu.vector_load %arg6[%get3A_415, %get3A_416, %get3A_417] {strides = array<i32>} : memref<2x512x64xf32, #tpu.memory_space<vmem>>, vector<1x1x16xf32>,
        %get3A_419 = vector.shape_cast %get3A_418 : vector<1x1x16xf32> to vector<16xf32>
        %mul3A_420 = arith.constant 8.000000e+00 : f32
        %mul3A_421 = vector.broadcast %mul3A_420 : f32 to vector<16xf32>
        %mul3A_422 = arith.mulf %get3A_419, %mul3A_421 : vector<16xf32>
        %swap3A_423 = arith.constant 0 : i32
        %swap3A_424 = arith.index_cast %swap3A_423 : i32 to index
        %swap3A_425 = arith.index_cast %add3A_413 : i32 to index
        %swap3A_426 = arith.constant 0 : index
        %swap3A_427 = tpu.vector_load %arg6[%swap3A_424, %swap3A_425, %swap3A_426] {strides = array<i32>} : memref<2x512x64xf32, #tpu.memory_space<vmem>>, vector<1x1x16xf32>,
        %swap3A_428 = vector.shape_cast %swap3A_427 : vector<1x1x16xf32> to vector<16xf32>
        %swap3A_429 = vector.shape_cast %mul3A_422 : vector<16xf32> to vector<1x1x16xf32>
        tpu.vector_store %arg6[%swap3A_424, %swap3A_425, %swap3A_426], %swap3A_429 {strides = array<i32>} : memref<2x512x64xf32, #tpu.memory_space<vmem>>, vector<1x1x16xf32>,
        %get3A_430 = arith.constant 0 : i32
        %get3A_431 = arith.index_cast %get3A_430 : i32 to index
        %get3A_432 = arith.index_cast %add3A_413 : i32 to index
        %get3A_433 = arith.constant 16 : index
        %get3A_434 = tpu.vector_load %arg6[%get3A_431, %get3A_432, %get3A_433] {strides = array<i32>} : memref<2x512x64xf32, #tpu.memory_space<vmem>>, vector<1x1x16xf32>,
        %get3A_435 = vector.shape_cast %get3A_434 : vector<1x1x16xf32> to vector<16xf32>
        %mul3A_436 = arith.constant 8.000000e+00 : f32
        %mul3A_437 = vector.broadcast %mul3A_436 : f32 to vector<16xf32>
        %mul3A_438 = arith.mulf %get3A_435, %mul3A_437 : vector<16xf32>
        %swap3A_439 = arith.constant 0 : i32
        %swap3A_440 = arith.index_cast %swap3A_439 : i32 to index
        %swap3A_441 = arith.index_cast %add3A_413 : i32 to index
        %swap3A_442 = arith.constant 16 : index
        %swap3A_443 = tpu.vector_load %arg6[%swap3A_440, %swap3A_441, %swap3A_442] {strides = array<i32>} : memref<2x512x64xf32, #tpu.memory_space<vmem>>, vector<1x1x16xf32>,
        %swap3A_444 = vector.shape_cast %swap3A_443 : vector<1x1x16xf32> to vector<16xf32>
        %swap3A_445 = vector.shape_cast %mul3A_438 : vector<16xf32> to vector<1x1x16xf32>
        tpu.vector_store %arg6[%swap3A_440, %swap3A_441, %swap3A_442], %swap3A_445 {strides = array<i32>} : memref<2x512x64xf32, #tpu.memory_space<vmem>>, vector<1x1x16xf32>,
        %get3A_446 = arith.constant 0 : i32
        %get3A_447 = arith.index_cast %get3A_446 : i32 to index
        %get3A_448 = arith.index_cast %add3A_413 : i32 to index
        %get3A_449 = arith.constant 32 : index
        %get3A_450 = tpu.vector_load %arg6[%get3A_447, %get3A_448, %get3A_449] {strides = array<i32>} : memref<2x512x64xf32, #tpu.memory_space<vmem>>, vector<1x1x16xf32>,
        %get3A_451 = vector.shape_cast %get3A_450 : vector<1x1x16xf32> to vector<16xf32>
        %mul3A_452 = arith.constant 8.000000e+00 : f32
        %mul3A_453 = vector.broadcast %mul3A_452 : f32 to vector<16xf32>
        %mul3A_454 = arith.mulf %get3A_451, %mul3A_453 : vector<16xf32>
        %swap3A_455 = arith.constant 0 : i32
        %swap3A_456 = arith.index_cast %swap3A_455 : i32 to index
        %swap3A_457 = arith.index_cast %add3A_413 : i32 to index
        %swap3A_458 = arith.constant 32 : index
        %swap3A_459 = tpu.vector_load %arg6[%swap3A_456, %swap3A_457, %swap3A_458] {strides = array<i32>} : memref<2x512x64xf32, #tpu.memory_space<vmem>>, vector<1x1x16xf32>,
        %swap3A_460 = vector.shape_cast %swap3A_459 : vector<1x1x16xf32> to vector<16xf32>
        %swap3A_461 = vector.shape_cast %mul3A_454 : vector<16xf32> to vector<1x1x16xf32>
        tpu.vector_store %arg6[%swap3A_456, %swap3A_457, %swap3A_458], %swap3A_461 {strides = array<i32>} : memref<2x512x64xf32, #tpu.memory_space<vmem>>, vector<1x1x16xf32>,
        %get3A_462 = arith.constant 0 : i32
        %get3A_463 = arith.index_cast %get3A_462 : i32 to index
        %get3A_464 = arith.index_cast %add3A_413 : i32 to index
        %get3A_465 = arith.constant 48 : index
        %get3A_466 = tpu.vector_load %arg6[%get3A_463, %get3A_464, %get3A_465] {strides = array<i32>} : memref<2x512x64xf32, #tpu.memory_space<vmem>>, vector<1x1x16xf32>,
        %get3A_467 = vector.shape_cast %get3A_466 : vector<1x1x16xf32> to vector<16xf32>
        %mul3A_468 = arith.constant 8.000000e+00 : f32
        %mul3A_469 = vector.broadcast %mul3A_468 : f32 to vector<16xf32>
        %mul3A_470 = arith.mulf %get3A_467, %mul3A_469 : vector<16xf32>
        %swap3A_471 = arith.constant 0 : i32
        %swap3A_472 = arith.index_cast %swap3A_471 : i32 to index
        %swap3A_473 = arith.index_cast %add3A_413 : i32 to index
        %swap3A_474 = arith.constant 48 : index
        %swap3A_475 = tpu.vector_load %arg6[%swap3A_472, %swap3A_473, %swap3A_474] {strides = array<i32>} : memref<2x512x64xf32, #tpu.memory_space<vmem>>, vector<1x1x16xf32>,
        %swap3A_476 = vector.shape_cast %swap3A_475 : vector<1x1x16xf32> to vector<16xf32>
        %swap3A_477 = vector.shape_cast %mul3A_470 : vector<16xf32> to vector<1x1x16xf32>
        tpu.vector_store %arg6[%swap3A_472, %swap3A_473, %swap3A_474], %swap3A_477 {strides = array<i32>} : memref<2x512x64xf32, #tpu.memory_space<vmem>>, vector<1x1x16xf32>,
        %scan3A_478 = arith.constant 5 : i32
        %scan3A_479 = arith.addi %scan3A_131, %scan3A_478 : i32
        %mul3A_480 = arith.constant 1 : i32
        %mul3A_481 = arith.muli %scan3A_479, %mul3A_480 : i32
        %add3A_482 = arith.constant 0 : i32
        %add3A_483 = arith.addi %add3A_482, %mul3A_481 : i32
        %get3A_484 = arith.constant 0 : i32
        %get3A_485 = arith.index_cast %get3A_484 : i32 to index
        %get3A_486 = arith.index_cast %add3A_483 : i32 to index
        %get3A_487 = arith.constant 0 : index
        %get3A_488 = tpu.vector_load %arg6[%get3A_485, %get3A_486, %get3A_487] {strides = array<i32>} : memref<2x512x64xf32, #tpu.memory_space<vmem>>, vector<1x1x16xf32>,
        %get3A_489 = vector.shape_cast %get3A_488 : vector<1x1x16xf32> to vector<16xf32>
        %mul3A_490 = arith.constant 8.000000e+00 : f32
        %mul3A_491 = vector.broadcast %mul3A_490 : f32 to vector<16xf32>
        %mul3A_492 = arith.mulf %get3A_489, %mul3A_491 : vector<16xf32>
        %swap3A_493 = arith.constant 0 : i32
        %swap3A_494 = arith.index_cast %swap3A_493 : i32 to index
        %swap3A_495 = arith.index_cast %add3A_483 : i32 to index
        %swap3A_496 = arith.constant 0 : index
        %swap3A_497 = tpu.vector_load %arg6[%swap3A_494, %swap3A_495, %swap3A_496] {strides = array<i32>} : memref<2x512x64xf32, #tpu.memory_space<vmem>>, vector<1x1x16xf32>,
        %swap3A_498 = vector.shape_cast %swap3A_497 : vector<1x1x16xf32> to vector<16xf32>
        %swap3A_499 = vector.shape_cast %mul3A_492 : vector<16xf32> to vector<1x1x16xf32>
        tpu.vector_store %arg6[%swap3A_494, %swap3A_495, %swap3A_496], %swap3A_499 {strides = array<i32>} : memref<2x512x64xf32, #tpu.memory_space<vmem>>, vector<1x1x16xf32>,
        %get3A_500 = arith.constant 0 : i32
        %get3A_501 = arith.index_cast %get3A_500 : i32 to index
        %get3A_502 = arith.index_cast %add3A_483 : i32 to index
        %get3A_503 = arith.constant 16 : index
        %get3A_504 = tpu.vector_load %arg6[%get3A_501, %get3A_502, %get3A_503] {strides = array<i32>} : memref<2x512x64xf32, #tpu.memory_space<vmem>>, vector<1x1x16xf32>,
        %get3A_505 = vector.shape_cast %get3A_504 : vector<1x1x16xf32> to vector<16xf32>
        %mul3A_506 = arith.constant 8.000000e+00 : f32
        %mul3A_507 = vector.broadcast %mul3A_506 : f32 to vector<16xf32>
        %mul3A_508 = arith.mulf %get3A_505, %mul3A_507 : vector<16xf32>
        %swap3A_509 = arith.constant 0 : i32
        %swap3A_510 = arith.index_cast %swap3A_509 : i32 to index
        %swap3A_511 = arith.index_cast %add3A_483 : i32 to index
        %swap3A_512 = arith.constant 16 : index
        %swap3A_513 = tpu.vector_load %arg6[%swap3A_510, %swap3A_511, %swap3A_512] {strides = array<i32>} : memref<2x512x64xf32, #tpu.memory_space<vmem>>, vector<1x1x16xf32>,
        %swap3A_514 = vector.shape_cast %swap3A_513 : vector<1x1x16xf32> to vector<16xf32>
        %swap3A_515 = vector.shape_cast %mul3A_508 : vector<16xf32> to vector<1x1x16xf32>
        tpu.vector_store %arg6[%swap3A_510, %swap3A_511, %swap3A_512], %swap3A_515 {strides = array<i32>} : memref<2x512x64xf32, #tpu.memory_space<vmem>>, vector<1x1x16xf32>,
        %get3A_516 = arith.constant 0 : i32
        %get3A_517 = arith.index_cast %get3A_516 : i32 to index
        %get3A_518 = arith.index_cast %add3A_483 : i32 to index
        %get3A_519 = arith.constant 32 : index
        %get3A_520 = tpu.vector_load %arg6[%get3A_517, %get3A_518, %get3A_519] {strides = array<i32>} : memref<2x512x64xf32, #tpu.memory_space<vmem>>, vector<1x1x16xf32>,
        %get3A_521 = vector.shape_cast %get3A_520 : vector<1x1x16xf32> to vector<16xf32>
        %mul3A_522 = arith.constant 8.000000e+00 : f32
        %mul3A_523 = vector.broadcast %mul3A_522 : f32 to vector<16xf32>
        %mul3A_524 = arith.mulf %get3A_521, %mul3A_523 : vector<16xf32>
        %swap3A_525 = arith.constant 0 : i32
        %swap3A_526 = arith.index_cast %swap3A_525 : i32 to index
        %swap3A_527 = arith.index_cast %add3A_483 : i32 to index
        %swap3A_528 = arith.constant 32 : index
        %swap3A_529 = tpu.vector_load %arg6[%swap3A_526, %swap3A_527, %swap3A_528] {strides = array<i32>} : memref<2x512x64xf32, #tpu.memory_space<vmem>>, vector<1x1x16xf32>,
        %swap3A_530 = vector.shape_cast %swap3A_529 : vector<1x1x16xf32> to vector<16xf32>
        %swap3A_531 = vector.shape_cast %mul3A_524 : vector<16xf32> to vector<1x1x16xf32>
        tpu.vector_store %arg6[%swap3A_526, %swap3A_527, %swap3A_528], %swap3A_531 {strides = array<i32>} : memref<2x512x64xf32, #tpu.memory_space<vmem>>, vector<1x1x16xf32>,
        %get3A_532 = arith.constant 0 : i32
        %get3A_533 = arith.index_cast %get3A_532 : i32 to index
        %get3A_534 = arith.index_cast %add3A_483 : i32 to index
        %get3A_535 = arith.constant 48 : index
        %get3A_536 = tpu.vector_load %arg6[%get3A_533, %get3A_534, %get3A_535] {strides = array<i32>} : memref<2x512x64xf32, #tpu.memory_space<vmem>>, vector<1x1x16xf32>,
        %get3A_537 = vector.shape_cast %get3A_536 : vector<1x1x16xf32> to vector<16xf32>
        %mul3A_538 = arith.constant 8.000000e+00 : f32
        %mul3A_539 = vector.broadcast %mul3A_538 : f32 to vector<16xf32>
        %mul3A_540 = arith.mulf %get3A_537, %mul3A_539 : vector<16xf32>
        %swap3A_541 = arith.constant 0 : i32
        %swap3A_542 = arith.index_cast %swap3A_541 : i32 to index
        %swap3A_543 = arith.index_cast %add3A_483 : i32 to index
        %swap3A_544 = arith.constant 48 : index
        %swap3A_545 = tpu.vector_load %arg6[%swap3A_542, %swap3A_543, %swap3A_544] {strides = array<i32>} : memref<2x512x64xf32, #tpu.memory_space<vmem>>, vector<1x1x16xf32>,
        %swap3A_546 = vector.shape_cast %swap3A_545 : vector<1x1x16xf32> to vector<16xf32>
        %swap3A_547 = vector.shape_cast %mul3A_540 : vector<16xf32> to vector<1x1x16xf32>
        tpu.vector_store %arg6[%swap3A_542, %swap3A_543, %swap3A_544], %swap3A_547 {strides = array<i32>} : memref<2x512x64xf32, #tpu.memory_space<vmem>>, vector<1x1x16xf32>,
        %scan3A_548 = arith.constant 6 : i32
        %scan3A_549 = arith.addi %scan3A_131, %scan3A_548 : i32
        %mul3A_550 = arith.constant 1 : i32
        %mul3A_551 = arith.muli %scan3A_549, %mul3A_550 : i32
        %add3A_552 = arith.constant 0 : i32
        %add3A_553 = arith.addi %add3A_552, %mul3A_551 : i32
        %get3A_554 = arith.constant 0 : i32
        %get3A_555 = arith.index_cast %get3A_554 : i32 to index
        %get3A_556 = arith.index_cast %add3A_553 : i32 to index
        %get3A_557 = arith.constant 0 : index
        %get3A_558 = tpu.vector_load %arg6[%get3A_555, %get3A_556, %get3A_557] {strides = array<i32>} : memref<2x512x64xf32, #tpu.memory_space<vmem>>, vector<1x1x16xf32>,
        %get3A_559 = vector.shape_cast %get3A_558 : vector<1x1x16xf32> to vector<16xf32>
        %mul3A_560 = arith.constant 8.000000e+00 : f32
        %mul3A_561 = vector.broadcast %mul3A_560 : f32 to vector<16xf32>
        %mul3A_562 = arith.mulf %get3A_559, %mul3A_561 : vector<16xf32>
        %swap3A_563 = arith.constant 0 : i32
        %swap3A_564 = arith.index_cast %swap3A_563 : i32 to index
        %swap3A_565 = arith.index_cast %add3A_553 : i32 to index
        %swap3A_566 = arith.constant 0 : index
        %swap3A_567 = tpu.vector_load %arg6[%swap3A_564, %swap3A_565, %swap3A_566] {strides = array<i32>} : memref<2x512x64xf32, #tpu.memory_space<vmem>>, vector<1x1x16xf32>,
        %swap3A_568 = vector.shape_cast %swap3A_567 : vector<1x1x16xf32> to vector<16xf32>
        %swap3A_569 = vector.shape_cast %mul3A_562 : vector<16xf32> to vector<1x1x16xf32>
        tpu.vector_store %arg6[%swap3A_564, %swap3A_565, %swap3A_566], %swap3A_569 {strides = array<i32>} : memref<2x512x64xf32, #tpu.memory_space<vmem>>, vector<1x1x16xf32>,
        %get3A_570 = arith.constant 0 : i32
        %get3A_571 = arith.index_cast %get3A_570 : i32 to index
        %get3A_572 = arith.index_cast %add3A_553 : i32 to index
        %get3A_573 = arith.constant 16 : index
        %get3A_574 = tpu.vector_load %arg6[%get3A_571, %get3A_572, %get3A_573] {strides = array<i32>} : memref<2x512x64xf32, #tpu.memory_space<vmem>>, vector<1x1x16xf32>,
        %get3A_575 = vector.shape_cast %get3A_574 : vector<1x1x16xf32> to vector<16xf32>
        %mul3A_576 = arith.constant 8.000000e+00 : f32
        %mul3A_577 = vector.broadcast %mul3A_576 : f32 to vector<16xf32>
        %mul3A_578 = arith.mulf %get3A_575, %mul3A_577 : vector<16xf32>
        %swap3A_579 = arith.constant 0 : i32
        %swap3A_580 = arith.index_cast %swap3A_579 : i32 to index
        %swap3A_581 = arith.index_cast %add3A_553 : i32 to index
        %swap3A_582 = arith.constant 16 : index
        %swap3A_583 = tpu.vector_load %arg6[%swap3A_580, %swap3A_581, %swap3A_582] {strides = array<i32>} : memref<2x512x64xf32, #tpu.memory_space<vmem>>, vector<1x1x16xf32>,
        %swap3A_584 = vector.shape_cast %swap3A_583 : vector<1x1x16xf32> to vector<16xf32>
        %swap3A_585 = vector.shape_cast %mul3A_578 : vector<16xf32> to vector<1x1x16xf32>
        tpu.vector_store %arg6[%swap3A_580, %swap3A_581, %swap3A_582], %swap3A_585 {strides = array<i32>} : memref<2x512x64xf32, #tpu.memory_space<vmem>>, vector<1x1x16xf32>,
        %get3A_586 = arith.constant 0 : i32
        %get3A_587 = arith.index_cast %get3A_586 : i32 to index
        %get3A_588 = arith.index_cast %add3A_553 : i32 to index
        %get3A_589 = arith.constant 32 : index
        %get3A_590 = tpu.vector_load %arg6[%get3A_587, %get3A_588, %get3A_589] {strides = array<i32>} : memref<2x512x64xf32, #tpu.memory_space<vmem>>, vector<1x1x16xf32>,
        %get3A_591 = vector.shape_cast %get3A_590 : vector<1x1x16xf32> to vector<16xf32>
        %mul3A_592 = arith.constant 8.000000e+00 : f32
        %mul3A_593 = vector.broadcast %mul3A_592 : f32 to vector<16xf32>
        %mul3A_594 = arith.mulf %get3A_591, %mul3A_593 : vector<16xf32>
        %swap3A_595 = arith.constant 0 : i32
        %swap3A_596 = arith.index_cast %swap3A_595 : i32 to index
        %swap3A_597 = arith.index_cast %add3A_553 : i32 to index
        %swap3A_598 = arith.constant 32 : index
        %swap3A_599 = tpu.vector_load %arg6[%swap3A_596, %swap3A_597, %swap3A_598] {strides = array<i32>} : memref<2x512x64xf32, #tpu.memory_space<vmem>>, vector<1x1x16xf32>,
        %swap3A_600 = vector.shape_cast %swap3A_599 : vector<1x1x16xf32> to vector<16xf32>
        %swap3A_601 = vector.shape_cast %mul3A_594 : vector<16xf32> to vector<1x1x16xf32>
        tpu.vector_store %arg6[%swap3A_596, %swap3A_597, %swap3A_598], %swap3A_601 {strides = array<i32>} : memref<2x512x64xf32, #tpu.memory_space<vmem>>, vector<1x1x16xf32>,
        %get3A_602 = arith.constant 0 : i32
        %get3A_603 = arith.index_cast %get3A_602 : i32 to index
        %get3A_604 = arith.index_cast %add3A_553 : i32 to index
        %get3A_605 = arith.constant 48 : index
        %get3A_606 = tpu.vector_load %arg6[%get3A_603, %get3A_604, %get3A_605] {strides = array<i32>} : memref<2x512x64xf32, #tpu.memory_space<vmem>>, vector<1x1x16xf32>,
        %get3A_607 = vector.shape_cast %get3A_606 : vector<1x1x16xf32> to vector<16xf32>
        %mul3A_608 = arith.constant 8.000000e+00 : f32
        %mul3A_609 = vector.broadcast %mul3A_608 : f32 to vector<16xf32>
        %mul3A_610 = arith.mulf %get3A_607, %mul3A_609 : vector<16xf32>
        %swap3A_611 = arith.constant 0 : i32
        %swap3A_612 = arith.index_cast %swap3A_611 : i32 to index
        %swap3A_613 = arith.index_cast %add3A_553 : i32 to index
        %swap3A_614 = arith.constant 48 : index
        %swap3A_615 = tpu.vector_load %arg6[%swap3A_612, %swap3A_613, %swap3A_614] {strides = array<i32>} : memref<2x512x64xf32, #tpu.memory_space<vmem>>, vector<1x1x16xf32>,
        %swap3A_616 = vector.shape_cast %swap3A_615 : vector<1x1x16xf32> to vector<16xf32>
        %swap3A_617 = vector.shape_cast %mul3A_610 : vector<16xf32> to vector<1x1x16xf32>
        tpu.vector_store %arg6[%swap3A_612, %swap3A_613, %swap3A_614], %swap3A_617 {strides = array<i32>} : memref<2x512x64xf32, #tpu.memory_space<vmem>>, vector<1x1x16xf32>,
        %scan3A_618 = arith.constant 7 : i32
        %scan3A_619 = arith.addi %scan3A_131, %scan3A_618 : i32
        %mul3A_620 = arith.constant 1 : i32
        %mul3A_621 = arith.muli %scan3A_619, %mul3A_620 : i32
        %add3A_622 = arith.constant 0 : i32
        %add3A_623 = arith.addi %add3A_622, %mul3A_621 : i32
        %get3A_624 = arith.constant 0 : i32
        %get3A_625 = arith.index_cast %get3A_624 : i32 to index
        %get3A_626 = arith.index_cast %add3A_623 : i32 to index
        %get3A_627 = arith.constant 0 : index
        %get3A_628 = tpu.vector_load %arg6[%get3A_625, %get3A_626, %get3A_627] {strides = array<i32>} : memref<2x512x64xf32, #tpu.memory_space<vmem>>, vector<1x1x16xf32>,
        %get3A_629 = vector.shape_cast %get3A_628 : vector<1x1x16xf32> to vector<16xf32>
        %mul3A_630 = arith.constant 8.000000e+00 : f32
        %mul3A_631 = vector.broadcast %mul3A_630 : f32 to vector<16xf32>
        %mul3A_632 = arith.mulf %get3A_629, %mul3A_631 : vector<16xf32>
        %swap3A_633 = arith.constant 0 : i32
        %swap3A_634 = arith.index_cast %swap3A_633 : i32 to index
        %swap3A_635 = arith.index_cast %add3A_623 : i32 to index
        %swap3A_636 = arith.constant 0 : index
        %swap3A_637 = tpu.vector_load %arg6[%swap3A_634, %swap3A_635, %swap3A_636] {strides = array<i32>} : memref<2x512x64xf32, #tpu.memory_space<vmem>>, vector<1x1x16xf32>,
        %swap3A_638 = vector.shape_cast %swap3A_637 : vector<1x1x16xf32> to vector<16xf32>
        %swap3A_639 = vector.shape_cast %mul3A_632 : vector<16xf32> to vector<1x1x16xf32>
        tpu.vector_store %arg6[%swap3A_634, %swap3A_635, %swap3A_636], %swap3A_639 {strides = array<i32>} : memref<2x512x64xf32, #tpu.memory_space<vmem>>, vector<1x1x16xf32>,
        %get3A_640 = arith.constant 0 : i32
        %get3A_641 = arith.index_cast %get3A_640 : i32 to index
        %get3A_642 = arith.index_cast %add3A_623 : i32 to index
        %get3A_643 = arith.constant 16 : index
        %get3A_644 = tpu.vector_load %arg6[%get3A_641, %get3A_642, %get3A_643] {strides = array<i32>} : memref<2x512x64xf32, #tpu.memory_space<vmem>>, vector<1x1x16xf32>,
        %get3A_645 = vector.shape_cast %get3A_644 : vector<1x1x16xf32> to vector<16xf32>
        %mul3A_646 = arith.constant 8.000000e+00 : f32
        %mul3A_647 = vector.broadcast %mul3A_646 : f32 to vector<16xf32>
        %mul3A_648 = arith.mulf %get3A_645, %mul3A_647 : vector<16xf32>
        %swap3A_649 = arith.constant 0 : i32
        %swap3A_650 = arith.index_cast %swap3A_649 : i32 to index
        %swap3A_651 = arith.index_cast %add3A_623 : i32 to index
        %swap3A_652 = arith.constant 16 : index
        %swap3A_653 = tpu.vector_load %arg6[%swap3A_650, %swap3A_651, %swap3A_652] {strides = array<i32>} : memref<2x512x64xf32, #tpu.memory_space<vmem>>, vector<1x1x16xf32>,
        %swap3A_654 = vector.shape_cast %swap3A_653 : vector<1x1x16xf32> to vector<16xf32>
        %swap3A_655 = vector.shape_cast %mul3A_648 : vector<16xf32> to vector<1x1x16xf32>
        tpu.vector_store %arg6[%swap3A_650, %swap3A_651, %swap3A_652], %swap3A_655 {strides = array<i32>} : memref<2x512x64xf32, #tpu.memory_space<vmem>>, vector<1x1x16xf32>,
        %get3A_656 = arith.constant 0 : i32
        %get3A_657 = arith.index_cast %get3A_656 : i32 to index
        %get3A_658 = arith.index_cast %add3A_623 : i32 to index
        %get3A_659 = arith.constant 32 : index
        %get3A_660 = tpu.vector_load %arg6[%get3A_657, %get3A_658, %get3A_659] {strides = array<i32>} : memref<2x512x64xf32, #tpu.memory_space<vmem>>, vector<1x1x16xf32>,
        %get3A_661 = vector.shape_cast %get3A_660 : vector<1x1x16xf32> to vector<16xf32>
        %mul3A_662 = arith.constant 8.000000e+00 : f32
        %mul3A_663 = vector.broadcast %mul3A_662 : f32 to vector<16xf32>
        %mul3A_664 = arith.mulf %get3A_661, %mul3A_663 : vector<16xf32>
        %swap3A_665 = arith.constant 0 : i32
        %swap3A_666 = arith.index_cast %swap3A_665 : i32 to index
        %swap3A_667 = arith.index_cast %add3A_623 : i32 to index
        %swap3A_668 = arith.constant 32 : index
        %swap3A_669 = tpu.vector_load %arg6[%swap3A_666, %swap3A_667, %swap3A_668] {strides = array<i32>} : memref<2x512x64xf32, #tpu.memory_space<vmem>>, vector<1x1x16xf32>,
        %swap3A_670 = vector.shape_cast %swap3A_669 : vector<1x1x16xf32> to vector<16xf32>
        %swap3A_671 = vector.shape_cast %mul3A_664 : vector<16xf32> to vector<1x1x16xf32>
        tpu.vector_store %arg6[%swap3A_666, %swap3A_667, %swap3A_668], %swap3A_671 {strides = array<i32>} : memref<2x512x64xf32, #tpu.memory_space<vmem>>, vector<1x1x16xf32>,
        %get3A_672 = arith.constant 0 : i32
        %get3A_673 = arith.index_cast %get3A_672 : i32 to index
        %get3A_674 = arith.index_cast %add3A_623 : i32 to index
        %get3A_675 = arith.constant 48 : index
        %get3A_676 = tpu.vector_load %arg6[%get3A_673, %get3A_674, %get3A_675] {strides = array<i32>} : memref<2x512x64xf32, #tpu.memory_space<vmem>>, vector<1x1x16xf32>,
        %get3A_677 = vector.shape_cast %get3A_676 : vector<1x1x16xf32> to vector<16xf32>
        %mul3A_678 = arith.constant 8.000000e+00 : f32
        %mul3A_679 = vector.broadcast %mul3A_678 : f32 to vector<16xf32>
        %mul3A_680 = arith.mulf %get3A_677, %mul3A_679 : vector<16xf32>
        %swap3A_681 = arith.constant 0 : i32
        %swap3A_682 = arith.index_cast %swap3A_681 : i32 to index
        %swap3A_683 = arith.index_cast %add3A_623 : i32 to index
        %swap3A_684 = arith.constant 48 : index
        %swap3A_685 = tpu.vector_load %arg6[%swap3A_682, %swap3A_683, %swap3A_684] {strides = array<i32>} : memref<2x512x64xf32, #tpu.memory_space<vmem>>, vector<1x1x16xf32>,
        %swap3A_686 = vector.shape_cast %swap3A_685 : vector<1x1x16xf32> to vector<16xf32>
        %swap3A_687 = vector.shape_cast %mul3A_680 : vector<16xf32> to vector<1x1x16xf32>
        tpu.vector_store %arg6[%swap3A_682, %swap3A_683, %swap3A_684], %swap3A_687 {strides = array<i32>} : memref<2x512x64xf32, #tpu.memory_space<vmem>>, vector<1x1x16xf32>,
      }
      %scan3A_72 = arith.constant 512 : i32
      %mul3A_73 = arith.constant 512 : i32
      %mul3A_74 = arith.muli %add3A_51, %mul3A_73 : i32
      %add3A_75 = arith.addi %mul3A_2, %mul3A_74 : i32
      %dma_start3A_76 = arith.constant 0 : i32
      %dma_start3A_77 = arith.constant 0 : i32
      %dma_start3A_78 = arith.constant 0 : i32
      %dma_start3A_79 = tpu.memref_slice %arg6[%dma_start3A_76, %dma_start3A_77, %dma_start3A_78] : memref<2x512x64xf32, #tpu.memory_space<vmem>> -> memref<1x512x64xf32, #tpu.memory_space<vmem>>
      %dma_start3A_80 = tpu.memref_squeeze %dma_start3A_79 : memref<1x512x64xf32, #tpu.memory_space<vmem>> -> memref<512x64xf32, #tpu.memory_space<vmem>>
      %dma_start3A_81 = arith.constant 0 : i32
      %dma_start3A_82 = tpu.memref_slice %arg4[%add3A_75, %dma_start3A_81] : memref<3276800x64xf32, #tpu.memory_space<hbm>> -> memref<512x64xf32, #tpu.memory_space<hbm>>
      %dma_start3A_83 = arith.constant 0 : i32
      %dma_start3A_84 = tpu.memref_slice %arg4[%add3A_75, %dma_start3A_83] : memref<3276800x64xf32, #tpu.memory_space<hbm>> -> memref<512x64xf32, #tpu.memory_space<hbm>>
      %dma_start3A_85 = arith.constant 0 : i32
      %dma_start3A_86 = arith.constant 0 : i32
      %dma_start3A_87 = tpu.memref_slice %arg6[%dma_start3A_76, %dma_start3A_85, %dma_start3A_86] : memref<2x512x64xf32, #tpu.memory_space<vmem>> -> memref<1x512x64xf32, #tpu.memory_space<vmem>>
      %dma_start3A_88 = tpu.memref_squeeze %dma_start3A_87 : memref<1x512x64xf32, #tpu.memory_space<vmem>> -> memref<512x64xf32, #tpu.memory_space<vmem>>
      tpu.enqueue_dma source(%dma_start3A_88 : memref<512x64xf32, #tpu.memory_space<vmem>>) target(%dma_start3A_84 : memref<512x64xf32, #tpu.memory_space<hbm>>) target_semaphore(%arg9 : memref<!tpu.dma_semaphore, #tpu.memory_space<semaphore_mem>>)
      %add3A_89 = arith.constant 1 : i32
      %add3A_90 = arith.addi %add3A_49, %add3A_89 : i32
      %add3A_91 = arith.constant 1 : i32
      %add3A_92 = arith.addi %add3A_90, %add3A_91 : i32
      %lt3A_93 = arith.constant 200 : i32
      %lt3A_94 = arith.cmpi slt, %add3A_92, %lt3A_93 : i32
      %convert_element_type3A_95 = arith.extui %lt3A_94 : i1 to i32
      %cond3A_96 = arith.constant 0 : i32
      %cond3A_97 = arith.cmpi ne, %convert_element_type3A_95, %cond3A_96 : i32
      scf.if %cond3A_97 {
        %ge3A = arith.constant 1 : i32
        %ge3A_131 = arith.cmpi sge, %add3A_90, %ge3A : i32
        %convert_element_type3A_132 = arith.extui %ge3A_131 : i1 to i32
        %cond3A_133 = arith.constant 0 : i32
        %cond3A_134 = arith.cmpi ne, %convert_element_type3A_132, %cond3A_133 : i32
        scf.if %cond3A_134 {
          %dma_wait3A_153 = arith.constant 0 : i32
          %dma_wait3A_154 = arith.constant 0 : i32
          %dma_wait3A_155 = arith.constant 0 : i32
          %dma_wait3A_156 = tpu.memref_slice %arg6[%dma_wait3A_153, %dma_wait3A_154, %dma_wait3A_155] : memref<2x512x64xf32, #tpu.memory_space<vmem>> -> memref<1x512x64xf32, #tpu.memory_space<vmem>>
          %dma_wait3A_157 = tpu.memref_squeeze %dma_wait3A_156 : memref<1x512x64xf32, #tpu.memory_space<vmem>> -> memref<512x64xf32, #tpu.memory_space<vmem>>
          %dma_wait3A_158 = arith.constant 0 : i32
          %dma_wait3A_159 = tpu.memref_slice %arg4[%mul3A_2, %dma_wait3A_158] : memref<3276800x64xf32, #tpu.memory_space<hbm>> -> memref<512x64xf32, #tpu.memory_space<hbm>>
          %dma_wait3A_160 = arith.constant 0 : i32
          %dma_wait3A_161 = tpu.memref_slice %arg4[%mul3A_2, %dma_wait3A_160] : memref<3276800x64xf32, #tpu.memory_space<hbm>> -> memref<512x64xf32, #tpu.memory_space<hbm>>
          %dma_wait3A_162 = arith.constant 0 : i32
          %dma_wait3A_163 = arith.constant 0 : i32
          %dma_wait3A_164 = tpu.memref_slice %arg6[%dma_wait3A_153, %dma_wait3A_162, %dma_wait3A_163] : memref<2x512x64xf32, #tpu.memory_space<vmem>> -> memref<1x512x64xf32, #tpu.memory_space<vmem>>
          %dma_wait3A_165 = tpu.memref_squeeze %dma_wait3A_164 : memref<1x512x64xf32, #tpu.memory_space<vmem>> -> memref<512x64xf32, #tpu.memory_space<vmem>>
          tpu.wait_dma2 semaphore(%arg9 : memref<!tpu.dma_semaphore, #tpu.memory_space<semaphore_mem>>) src(%dma_wait3A_165 : memref<512x64xf32, #tpu.memory_space<vmem>>) dst(%dma_wait3A_161 : memref<512x64xf32, #tpu.memory_space<hbm>>)
        } else {
        }
        %add3A_135 = arith.constant 1 : i32
        %add3A_136 = arith.addi %add3A_90, %add3A_135 : i32
        %mul3A_137 = arith.constant 512 : i32
        %mul3A_138 = arith.muli %add3A_136, %mul3A_137 : i32
        %add3A_139 = arith.addi %mul3A_2, %mul3A_138 : i32
        %run_scoped3A_140 = arith.constant 0 : i32
        "tpu.region"() ({
          %run_scoped3A_153 = tpu.sem_alloc : memref<!tpu.dma_semaphore, #tpu.memory_space<semaphore_mem>>
          %dma_start3A_154 = arith.constant 0 : i32
          %dma_start3A_155 = tpu.memref_slice %arg5[%run_scoped3A_140, %dma_start3A_154] : memref<2x512xi32, #tpu.memory_space<vmem>> -> memref<1x512xi32, #tpu.memory_space<vmem>>
          %dma_start3A_156 = tpu.memref_squeeze %dma_start3A_155 : memref<1x512xi32, #tpu.memory_space<vmem>> -> memref<512xi32, #tpu.memory_space<vmem>>
          %dma_start3A_157 = tpu.memref_slice %arg2[%add3A_139] : memref<3276800xi32, #tpu.memory_space<hbm>> -> memref<512xi32, #tpu.memory_space<hbm>>
          %dma_start3A_158 = arith.constant 0 : i32
          %dma_start3A_159 = tpu.memref_slice %arg5[%run_scoped3A_140, %dma_start3A_158] : memref<2x512xi32, #tpu.memory_space<vmem>> -> memref<1x512xi32, #tpu.memory_space<vmem>>
          %dma_start3A_160 = tpu.memref_squeeze %dma_start3A_159 : memref<1x512xi32, #tpu.memory_space<vmem>> -> memref<512xi32, #tpu.memory_space<vmem>>
          %dma_start3A_161 = tpu.memref_slice %arg2[%add3A_139] : memref<3276800xi32, #tpu.memory_space<hbm>> -> memref<512xi32, #tpu.memory_space<hbm>>
          tpu.enqueue_dma source(%dma_start3A_161 : memref<512xi32, #tpu.memory_space<hbm>>) target(%dma_start3A_160 : memref<512xi32, #tpu.memory_space<vmem>>) target_semaphore(%run_scoped3A_153 : memref<!tpu.dma_semaphore, #tpu.memory_space<semaphore_mem>>)
          %dma_wait3A_162 = arith.constant 0 : i32
          %dma_wait3A_163 = tpu.memref_slice %arg5[%run_scoped3A_140, %dma_wait3A_162] : memref<2x512xi32, #tpu.memory_space<vmem>> -> memref<1x512xi32, #tpu.memory_space<vmem>>
          %dma_wait3A_164 = tpu.memref_squeeze %dma_wait3A_163 : memref<1x512xi32, #tpu.memory_space<vmem>> -> memref<512xi32, #tpu.memory_space<vmem>>
          %dma_wait3A_165 = tpu.memref_slice %arg2[%add3A_139] : memref<3276800xi32, #tpu.memory_space<hbm>> -> memref<512xi32, #tpu.memory_space<hbm>>
          %dma_wait3A_166 = arith.constant 0 : i32
          %dma_wait3A_167 = tpu.memref_slice %arg5[%run_scoped3A_140, %dma_wait3A_166] : memref<2x512xi32, #tpu.memory_space<vmem>> -> memref<1x512xi32, #tpu.memory_space<vmem>>
          %dma_wait3A_168 = tpu.memref_squeeze %dma_wait3A_167 : memref<1x512xi32, #tpu.memory_space<vmem>> -> memref<512xi32, #tpu.memory_space<vmem>>
          %dma_wait3A_169 = tpu.memref_slice %arg2[%add3A_139] : memref<3276800xi32, #tpu.memory_space<hbm>> -> memref<512xi32, #tpu.memory_space<hbm>>
          tpu.wait_dma2 semaphore(%run_scoped3A_153 : memref<!tpu.dma_semaphore, #tpu.memory_space<semaphore_mem>>) src(%dma_wait3A_169 : memref<512xi32, #tpu.memory_space<hbm>>) dst(%dma_wait3A_168 : memref<512xi32, #tpu.memory_space<vmem>>)
          tpu.yield
        }) : () -> ()
        %dma_start3A_141 = arith.constant 0 : i32
        %dma_start3A_142 = arith.constant 0 : i32
        %dma_start3A_143 = arith.constant 0 : i32
        %dma_start3A_144 = arith.constant 0 : i32
        %dma_start3A_145 = tpu.memref_slice %arg6[%dma_start3A_142, %dma_start3A_143, %dma_start3A_144] : memref<2x512x64xf32, #tpu.memory_space<vmem>> -> memref<1x512x64xf32, #tpu.memory_space<vmem>>
        %dma_start3A_146 = tpu.memref_squeeze %dma_start3A_145 : memref<1x512x64xf32, #tpu.memory_space<vmem>> -> memref<512x64xf32, #tpu.memory_space<vmem>>
        %dma_start3A_147 = arith.constant 0 : i32
        %dma_start3A_148 = tpu.memref_slice %arg5[%dma_start3A_141, %dma_start3A_147] : memref<2x512xi32, #tpu.memory_space<vmem>> -> memref<1x512xi32, #tpu.memory_space<vmem>>
        %dma_start3A_149 = tpu.memref_squeeze %dma_start3A_148 : memref<1x512xi32, #tpu.memory_space<vmem>> -> memref<512xi32, #tpu.memory_space<vmem>>
        %dma_start3A_150 = arith.constant 0 : i32
        %dma_start3A_151 = arith.constant 0 : i32
        %dma_start3A_152 = tpu.memref_slice %arg3[%dma_start3A_150, %dma_start3A_151] : memref<1000000x64xf32, #tpu.memory_space<hbm>> -> memref<1000000x64xf32, #tpu.memory_space<hbm>>
        tpu.enqueue_indirect_dma source(%dma_start3A_152 : memref<1000000x64xf32, #tpu.memory_space<hbm>>) target(%dma_start3A_146 : memref<512x64xf32, #tpu.memory_space<vmem>>) offsets(%dma_start3A_149 : memref<512xi32, #tpu.memory_space<vmem>>) semaphore(%arg7 : memref<!tpu.dma_semaphore, #tpu.memory_space<semaphore_mem>>)
      } else {
      }
      %dma_wait3A_98 = arith.constant 1 : i32
      %dma_wait3A_99 = arith.constant 1 : i32
      %dma_wait3A_100 = arith.constant 0 : i32
      %dma_wait3A_101 = arith.constant 0 : i32
      %dma_wait3A_102 = tpu.memref_slice %arg6[%dma_wait3A_99, %dma_wait3A_100, %dma_wait3A_101] : memref<2x512x64xf32, #tpu.memory_space<vmem>> -> memref<1x512x64xf32, #tpu.memory_space<vmem>>
      %dma_wait3A_103 = tpu.memref_squeeze %dma_wait3A_102 : memref<1x512x64xf32, #tpu.memory_space<vmem>> -> memref<512x64xf32, #tpu.memory_space<vmem>>
      %dma_wait3A_104 = arith.constant 0 : i32
      %dma_wait3A_105 = tpu.memref_slice %arg5[%dma_wait3A_98, %dma_wait3A_104] : memref<2x512xi32, #tpu.memory_space<vmem>> -> memref<1x512xi32, #tpu.memory_space<vmem>>
      %dma_wait3A_106 = tpu.memref_squeeze %dma_wait3A_105 : memref<1x512xi32, #tpu.memory_space<vmem>> -> memref<512xi32, #tpu.memory_space<vmem>>
      %dma_wait3A_107 = arith.constant 0 : i32
      %dma_wait3A_108 = arith.constant 0 : i32
      %dma_wait3A_109 = tpu.memref_slice %arg3[%dma_wait3A_107, %dma_wait3A_108] : memref<1000000x64xf32, #tpu.memory_space<hbm>> -> memref<1000000x64xf32, #tpu.memory_space<hbm>>
      tpu.wait_indirect_dma semaphore(%arg8 : memref<!tpu.dma_semaphore, #tpu.memory_space<semaphore_mem>>) src(%dma_wait3A_109 : memref<1000000x64xf32, #tpu.memory_space<hbm>>) dst(%dma_wait3A_103 : memref<512x64xf32, #tpu.memory_space<vmem>>)
      %scan3A_110 = arith.constant 0 : i32
      %scan3A_111 = arith.constant 512 : i32
      %scan3A_112 = arith.addi %scan3A_110, %scan3A_111 : i32
      %scan3A_113 = arith.constant 8 : i32
      scf.for %scan3A_131 = %scan3A_110 to %scan3A_112 step %scan3A_113  : i32 {
        %mul3A_132 = arith.constant 1 : i32
        %mul3A_133 = arith.muli %scan3A_131, %mul3A_132 : i32
        %add3A_134 = arith.constant 0 : i32
        %add3A_135 = arith.addi %add3A_134, %mul3A_133 : i32
        %get3A = arith.constant 1 : i32
        %get3A_136 = arith.index_cast %get3A : i32 to index
        %get3A_137 = arith.index_cast %add3A_135 : i32 to index
        %get3A_138 = arith.constant 0 : index
        %get3A_139 = tpu.vector_load %arg6[%get3A_136, %get3A_137, %get3A_138] {strides = array<i32>} : memref<2x512x64xf32, #tpu.memory_space<vmem>>, vector<1x1x16xf32>,
        %get3A_140 = vector.shape_cast %get3A_139 : vector<1x1x16xf32> to vector<16xf32>
        %mul3A_141 = arith.constant 8.000000e+00 : f32
        %mul3A_142 = vector.broadcast %mul3A_141 : f32 to vector<16xf32>
        %mul3A_143 = arith.mulf %get3A_140, %mul3A_142 : vector<16xf32>
        %swap3A = arith.constant 1 : i32
        %swap3A_144 = arith.index_cast %swap3A : i32 to index
        %swap3A_145 = arith.index_cast %add3A_135 : i32 to index
        %swap3A_146 = arith.constant 0 : index
        %swap3A_147 = tpu.vector_load %arg6[%swap3A_144, %swap3A_145, %swap3A_146] {strides = array<i32>} : memref<2x512x64xf32, #tpu.memory_space<vmem>>, vector<1x1x16xf32>,
        %swap3A_148 = vector.shape_cast %swap3A_147 : vector<1x1x16xf32> to vector<16xf32>
        %swap3A_149 = vector.shape_cast %mul3A_143 : vector<16xf32> to vector<1x1x16xf32>
        tpu.vector_store %arg6[%swap3A_144, %swap3A_145, %swap3A_146], %swap3A_149 {strides = array<i32>} : memref<2x512x64xf32, #tpu.memory_space<vmem>>, vector<1x1x16xf32>,
        %get3A_150 = arith.constant 1 : i32
        %get3A_151 = arith.index_cast %get3A_150 : i32 to index
        %get3A_152 = arith.index_cast %add3A_135 : i32 to index
        %get3A_153 = arith.constant 16 : index
        %get3A_154 = tpu.vector_load %arg6[%get3A_151, %get3A_152, %get3A_153] {strides = array<i32>} : memref<2x512x64xf32, #tpu.memory_space<vmem>>, vector<1x1x16xf32>,
        %get3A_155 = vector.shape_cast %get3A_154 : vector<1x1x16xf32> to vector<16xf32>
        %mul3A_156 = arith.constant 8.000000e+00 : f32
        %mul3A_157 = vector.broadcast %mul3A_156 : f32 to vector<16xf32>
        %mul3A_158 = arith.mulf %get3A_155, %mul3A_157 : vector<16xf32>
        %swap3A_159 = arith.constant 1 : i32
        %swap3A_160 = arith.index_cast %swap3A_159 : i32 to index
        %swap3A_161 = arith.index_cast %add3A_135 : i32 to index
        %swap3A_162 = arith.constant 16 : index
        %swap3A_163 = tpu.vector_load %arg6[%swap3A_160, %swap3A_161, %swap3A_162] {strides = array<i32>} : memref<2x512x64xf32, #tpu.memory_space<vmem>>, vector<1x1x16xf32>,
        %swap3A_164 = vector.shape_cast %swap3A_163 : vector<1x1x16xf32> to vector<16xf32>
        %swap3A_165 = vector.shape_cast %mul3A_158 : vector<16xf32> to vector<1x1x16xf32>
        tpu.vector_store %arg6[%swap3A_160, %swap3A_161, %swap3A_162], %swap3A_165 {strides = array<i32>} : memref<2x512x64xf32, #tpu.memory_space<vmem>>, vector<1x1x16xf32>,
        %get3A_166 = arith.constant 1 : i32
        %get3A_167 = arith.index_cast %get3A_166 : i32 to index
        %get3A_168 = arith.index_cast %add3A_135 : i32 to index
        %get3A_169 = arith.constant 32 : index
        %get3A_170 = tpu.vector_load %arg6[%get3A_167, %get3A_168, %get3A_169] {strides = array<i32>} : memref<2x512x64xf32, #tpu.memory_space<vmem>>, vector<1x1x16xf32>,
        %get3A_171 = vector.shape_cast %get3A_170 : vector<1x1x16xf32> to vector<16xf32>
        %mul3A_172 = arith.constant 8.000000e+00 : f32
        %mul3A_173 = vector.broadcast %mul3A_172 : f32 to vector<16xf32>
        %mul3A_174 = arith.mulf %get3A_171, %mul3A_173 : vector<16xf32>
        %swap3A_175 = arith.constant 1 : i32
        %swap3A_176 = arith.index_cast %swap3A_175 : i32 to index
        %swap3A_177 = arith.index_cast %add3A_135 : i32 to index
        %swap3A_178 = arith.constant 32 : index
        %swap3A_179 = tpu.vector_load %arg6[%swap3A_176, %swap3A_177, %swap3A_178] {strides = array<i32>} : memref<2x512x64xf32, #tpu.memory_space<vmem>>, vector<1x1x16xf32>,
        %swap3A_180 = vector.shape_cast %swap3A_179 : vector<1x1x16xf32> to vector<16xf32>
        %swap3A_181 = vector.shape_cast %mul3A_174 : vector<16xf32> to vector<1x1x16xf32>
        tpu.vector_store %arg6[%swap3A_176, %swap3A_177, %swap3A_178], %swap3A_181 {strides = array<i32>} : memref<2x512x64xf32, #tpu.memory_space<vmem>>, vector<1x1x16xf32>,
        %get3A_182 = arith.constant 1 : i32
        %get3A_183 = arith.index_cast %get3A_182 : i32 to index
        %get3A_184 = arith.index_cast %add3A_135 : i32 to index
        %get3A_185 = arith.constant 48 : index
        %get3A_186 = tpu.vector_load %arg6[%get3A_183, %get3A_184, %get3A_185] {strides = array<i32>} : memref<2x512x64xf32, #tpu.memory_space<vmem>>, vector<1x1x16xf32>,
        %get3A_187 = vector.shape_cast %get3A_186 : vector<1x1x16xf32> to vector<16xf32>
        %mul3A_188 = arith.constant 8.000000e+00 : f32
        %mul3A_189 = vector.broadcast %mul3A_188 : f32 to vector<16xf32>
        %mul3A_190 = arith.mulf %get3A_187, %mul3A_189 : vector<16xf32>
        %swap3A_191 = arith.constant 1 : i32
        %swap3A_192 = arith.index_cast %swap3A_191 : i32 to index
        %swap3A_193 = arith.index_cast %add3A_135 : i32 to index
        %swap3A_194 = arith.constant 48 : index
        %swap3A_195 = tpu.vector_load %arg6[%swap3A_192, %swap3A_193, %swap3A_194] {strides = array<i32>} : memref<2x512x64xf32, #tpu.memory_space<vmem>>, vector<1x1x16xf32>,
        %swap3A_196 = vector.shape_cast %swap3A_195 : vector<1x1x16xf32> to vector<16xf32>
        %swap3A_197 = vector.shape_cast %mul3A_190 : vector<16xf32> to vector<1x1x16xf32>
        tpu.vector_store %arg6[%swap3A_192, %swap3A_193, %swap3A_194], %swap3A_197 {strides = array<i32>} : memref<2x512x64xf32, #tpu.memory_space<vmem>>, vector<1x1x16xf32>,
        %scan3A_198 = arith.constant 1 : i32
        %scan3A_199 = arith.addi %scan3A_131, %scan3A_198 : i32
        %mul3A_200 = arith.constant 1 : i32
        %mul3A_201 = arith.muli %scan3A_199, %mul3A_200 : i32
        %add3A_202 = arith.constant 0 : i32
        %add3A_203 = arith.addi %add3A_202, %mul3A_201 : i32
        %get3A_204 = arith.constant 1 : i32
        %get3A_205 = arith.index_cast %get3A_204 : i32 to index
        %get3A_206 = arith.index_cast %add3A_203 : i32 to index
        %get3A_207 = arith.constant 0 : index
        %get3A_208 = tpu.vector_load %arg6[%get3A_205, %get3A_206, %get3A_207] {strides = array<i32>} : memref<2x512x64xf32, #tpu.memory_space<vmem>>, vector<1x1x16xf32>,
        %get3A_209 = vector.shape_cast %get3A_208 : vector<1x1x16xf32> to vector<16xf32>
        %mul3A_210 = arith.constant 8.000000e+00 : f32
        %mul3A_211 = vector.broadcast %mul3A_210 : f32 to vector<16xf32>
        %mul3A_212 = arith.mulf %get3A_209, %mul3A_211 : vector<16xf32>
        %swap3A_213 = arith.constant 1 : i32
        %swap3A_214 = arith.index_cast %swap3A_213 : i32 to index
        %swap3A_215 = arith.index_cast %add3A_203 : i32 to index
        %swap3A_216 = arith.constant 0 : index
        %swap3A_217 = tpu.vector_load %arg6[%swap3A_214, %swap3A_215, %swap3A_216] {strides = array<i32>} : memref<2x512x64xf32, #tpu.memory_space<vmem>>, vector<1x1x16xf32>,
        %swap3A_218 = vector.shape_cast %swap3A_217 : vector<1x1x16xf32> to vector<16xf32>
        %swap3A_219 = vector.shape_cast %mul3A_212 : vector<16xf32> to vector<1x1x16xf32>
        tpu.vector_store %arg6[%swap3A_214, %swap3A_215, %swap3A_216], %swap3A_219 {strides = array<i32>} : memref<2x512x64xf32, #tpu.memory_space<vmem>>, vector<1x1x16xf32>,
        %get3A_220 = arith.constant 1 : i32
        %get3A_221 = arith.index_cast %get3A_220 : i32 to index
        %get3A_222 = arith.index_cast %add3A_203 : i32 to index
        %get3A_223 = arith.constant 16 : index
        %get3A_224 = tpu.vector_load %arg6[%get3A_221, %get3A_222, %get3A_223] {strides = array<i32>} : memref<2x512x64xf32, #tpu.memory_space<vmem>>, vector<1x1x16xf32>,
        %get3A_225 = vector.shape_cast %get3A_224 : vector<1x1x16xf32> to vector<16xf32>
        %mul3A_226 = arith.constant 8.000000e+00 : f32
        %mul3A_227 = vector.broadcast %mul3A_226 : f32 to vector<16xf32>
        %mul3A_228 = arith.mulf %get3A_225, %mul3A_227 : vector<16xf32>
        %swap3A_229 = arith.constant 1 : i32
        %swap3A_230 = arith.index_cast %swap3A_229 : i32 to index
        %swap3A_231 = arith.index_cast %add3A_203 : i32 to index
        %swap3A_232 = arith.constant 16 : index
        %swap3A_233 = tpu.vector_load %arg6[%swap3A_230, %swap3A_231, %swap3A_232] {strides = array<i32>} : memref<2x512x64xf32, #tpu.memory_space<vmem>>, vector<1x1x16xf32>,
        %swap3A_234 = vector.shape_cast %swap3A_233 : vector<1x1x16xf32> to vector<16xf32>
        %swap3A_235 = vector.shape_cast %mul3A_228 : vector<16xf32> to vector<1x1x16xf32>
        tpu.vector_store %arg6[%swap3A_230, %swap3A_231, %swap3A_232], %swap3A_235 {strides = array<i32>} : memref<2x512x64xf32, #tpu.memory_space<vmem>>, vector<1x1x16xf32>,
        %get3A_236 = arith.constant 1 : i32
        %get3A_237 = arith.index_cast %get3A_236 : i32 to index
        %get3A_238 = arith.index_cast %add3A_203 : i32 to index
        %get3A_239 = arith.constant 32 : index
        %get3A_240 = tpu.vector_load %arg6[%get3A_237, %get3A_238, %get3A_239] {strides = array<i32>} : memref<2x512x64xf32, #tpu.memory_space<vmem>>, vector<1x1x16xf32>,
        %get3A_241 = vector.shape_cast %get3A_240 : vector<1x1x16xf32> to vector<16xf32>
        %mul3A_242 = arith.constant 8.000000e+00 : f32
        %mul3A_243 = vector.broadcast %mul3A_242 : f32 to vector<16xf32>
        %mul3A_244 = arith.mulf %get3A_241, %mul3A_243 : vector<16xf32>
        %swap3A_245 = arith.constant 1 : i32
        %swap3A_246 = arith.index_cast %swap3A_245 : i32 to index
        %swap3A_247 = arith.index_cast %add3A_203 : i32 to index
        %swap3A_248 = arith.constant 32 : index
        %swap3A_249 = tpu.vector_load %arg6[%swap3A_246, %swap3A_247, %swap3A_248] {strides = array<i32>} : memref<2x512x64xf32, #tpu.memory_space<vmem>>, vector<1x1x16xf32>,
        %swap3A_250 = vector.shape_cast %swap3A_249 : vector<1x1x16xf32> to vector<16xf32>
        %swap3A_251 = vector.shape_cast %mul3A_244 : vector<16xf32> to vector<1x1x16xf32>
        tpu.vector_store %arg6[%swap3A_246, %swap3A_247, %swap3A_248], %swap3A_251 {strides = array<i32>} : memref<2x512x64xf32, #tpu.memory_space<vmem>>, vector<1x1x16xf32>,
        %get3A_252 = arith.constant 1 : i32
        %get3A_253 = arith.index_cast %get3A_252 : i32 to index
        %get3A_254 = arith.index_cast %add3A_203 : i32 to index
        %get3A_255 = arith.constant 48 : index
        %get3A_256 = tpu.vector_load %arg6[%get3A_253, %get3A_254, %get3A_255] {strides = array<i32>} : memref<2x512x64xf32, #tpu.memory_space<vmem>>, vector<1x1x16xf32>,
        %get3A_257 = vector.shape_cast %get3A_256 : vector<1x1x16xf32> to vector<16xf32>
        %mul3A_258 = arith.constant 8.000000e+00 : f32
        %mul3A_259 = vector.broadcast %mul3A_258 : f32 to vector<16xf32>
        %mul3A_260 = arith.mulf %get3A_257, %mul3A_259 : vector<16xf32>
        %swap3A_261 = arith.constant 1 : i32
        %swap3A_262 = arith.index_cast %swap3A_261 : i32 to index
        %swap3A_263 = arith.index_cast %add3A_203 : i32 to index
        %swap3A_264 = arith.constant 48 : index
        %swap3A_265 = tpu.vector_load %arg6[%swap3A_262, %swap3A_263, %swap3A_264] {strides = array<i32>} : memref<2x512x64xf32, #tpu.memory_space<vmem>>, vector<1x1x16xf32>,
        %swap3A_266 = vector.shape_cast %swap3A_265 : vector<1x1x16xf32> to vector<16xf32>
        %swap3A_267 = vector.shape_cast %mul3A_260 : vector<16xf32> to vector<1x1x16xf32>
        tpu.vector_store %arg6[%swap3A_262, %swap3A_263, %swap3A_264], %swap3A_267 {strides = array<i32>} : memref<2x512x64xf32, #tpu.memory_space<vmem>>, vector<1x1x16xf32>,
        %scan3A_268 = arith.constant 2 : i32
        %scan3A_269 = arith.addi %scan3A_131, %scan3A_268 : i32
        %mul3A_270 = arith.constant 1 : i32
        %mul3A_271 = arith.muli %scan3A_269, %mul3A_270 : i32
        %add3A_272 = arith.constant 0 : i32
        %add3A_273 = arith.addi %add3A_272, %mul3A_271 : i32
        %get3A_274 = arith.constant 1 : i32
        %get3A_275 = arith.index_cast %get3A_274 : i32 to index
        %get3A_276 = arith.index_cast %add3A_273 : i32 to index
        %get3A_277 = arith.constant 0 : index
        %get3A_278 = tpu.vector_load %arg6[%get3A_275, %get3A_276, %get3A_277] {strides = array<i32>} : memref<2x512x64xf32, #tpu.memory_space<vmem>>, vector<1x1x16xf32>,
        %get3A_279 = vector.shape_cast %get3A_278 : vector<1x1x16xf32> to vector<16xf32>
        %mul3A_280 = arith.constant 8.000000e+00 : f32
        %mul3A_281 = vector.broadcast %mul3A_280 : f32 to vector<16xf32>
        %mul3A_282 = arith.mulf %get3A_279, %mul3A_281 : vector<16xf32>
        %swap3A_283 = arith.constant 1 : i32
        %swap3A_284 = arith.index_cast %swap3A_283 : i32 to index
        %swap3A_285 = arith.index_cast %add3A_273 : i32 to index
        %swap3A_286 = arith.constant 0 : index
        %swap3A_287 = tpu.vector_load %arg6[%swap3A_284, %swap3A_285, %swap3A_286] {strides = array<i32>} : memref<2x512x64xf32, #tpu.memory_space<vmem>>, vector<1x1x16xf32>,
        %swap3A_288 = vector.shape_cast %swap3A_287 : vector<1x1x16xf32> to vector<16xf32>
        %swap3A_289 = vector.shape_cast %mul3A_282 : vector<16xf32> to vector<1x1x16xf32>
        tpu.vector_store %arg6[%swap3A_284, %swap3A_285, %swap3A_286], %swap3A_289 {strides = array<i32>} : memref<2x512x64xf32, #tpu.memory_space<vmem>>, vector<1x1x16xf32>,
        %get3A_290 = arith.constant 1 : i32
        %get3A_291 = arith.index_cast %get3A_290 : i32 to index
        %get3A_292 = arith.index_cast %add3A_273 : i32 to index
        %get3A_293 = arith.constant 16 : index
        %get3A_294 = tpu.vector_load %arg6[%get3A_291, %get3A_292, %get3A_293] {strides = array<i32>} : memref<2x512x64xf32, #tpu.memory_space<vmem>>, vector<1x1x16xf32>,
        %get3A_295 = vector.shape_cast %get3A_294 : vector<1x1x16xf32> to vector<16xf32>
        %mul3A_296 = arith.constant 8.000000e+00 : f32
        %mul3A_297 = vector.broadcast %mul3A_296 : f32 to vector<16xf32>
        %mul3A_298 = arith.mulf %get3A_295, %mul3A_297 : vector<16xf32>
        %swap3A_299 = arith.constant 1 : i32
        %swap3A_300 = arith.index_cast %swap3A_299 : i32 to index
        %swap3A_301 = arith.index_cast %add3A_273 : i32 to index
        %swap3A_302 = arith.constant 16 : index
        %swap3A_303 = tpu.vector_load %arg6[%swap3A_300, %swap3A_301, %swap3A_302] {strides = array<i32>} : memref<2x512x64xf32, #tpu.memory_space<vmem>>, vector<1x1x16xf32>,
        %swap3A_304 = vector.shape_cast %swap3A_303 : vector<1x1x16xf32> to vector<16xf32>
        %swap3A_305 = vector.shape_cast %mul3A_298 : vector<16xf32> to vector<1x1x16xf32>
        tpu.vector_store %arg6[%swap3A_300, %swap3A_301, %swap3A_302], %swap3A_305 {strides = array<i32>} : memref<2x512x64xf32, #tpu.memory_space<vmem>>, vector<1x1x16xf32>,
        %get3A_306 = arith.constant 1 : i32
        %get3A_307 = arith.index_cast %get3A_306 : i32 to index
        %get3A_308 = arith.index_cast %add3A_273 : i32 to index
        %get3A_309 = arith.constant 32 : index
        %get3A_310 = tpu.vector_load %arg6[%get3A_307, %get3A_308, %get3A_309] {strides = array<i32>} : memref<2x512x64xf32, #tpu.memory_space<vmem>>, vector<1x1x16xf32>,
        %get3A_311 = vector.shape_cast %get3A_310 : vector<1x1x16xf32> to vector<16xf32>
        %mul3A_312 = arith.constant 8.000000e+00 : f32
        %mul3A_313 = vector.broadcast %mul3A_312 : f32 to vector<16xf32>
        %mul3A_314 = arith.mulf %get3A_311, %mul3A_313 : vector<16xf32>
        %swap3A_315 = arith.constant 1 : i32
        %swap3A_316 = arith.index_cast %swap3A_315 : i32 to index
        %swap3A_317 = arith.index_cast %add3A_273 : i32 to index
        %swap3A_318 = arith.constant 32 : index
        %swap3A_319 = tpu.vector_load %arg6[%swap3A_316, %swap3A_317, %swap3A_318] {strides = array<i32>} : memref<2x512x64xf32, #tpu.memory_space<vmem>>, vector<1x1x16xf32>,
        %swap3A_320 = vector.shape_cast %swap3A_319 : vector<1x1x16xf32> to vector<16xf32>
        %swap3A_321 = vector.shape_cast %mul3A_314 : vector<16xf32> to vector<1x1x16xf32>
        tpu.vector_store %arg6[%swap3A_316, %swap3A_317, %swap3A_318], %swap3A_321 {strides = array<i32>} : memref<2x512x64xf32, #tpu.memory_space<vmem>>, vector<1x1x16xf32>,
        %get3A_322 = arith.constant 1 : i32
        %get3A_323 = arith.index_cast %get3A_322 : i32 to index
        %get3A_324 = arith.index_cast %add3A_273 : i32 to index
        %get3A_325 = arith.constant 48 : index
        %get3A_326 = tpu.vector_load %arg6[%get3A_323, %get3A_324, %get3A_325] {strides = array<i32>} : memref<2x512x64xf32, #tpu.memory_space<vmem>>, vector<1x1x16xf32>,
        %get3A_327 = vector.shape_cast %get3A_326 : vector<1x1x16xf32> to vector<16xf32>
        %mul3A_328 = arith.constant 8.000000e+00 : f32
        %mul3A_329 = vector.broadcast %mul3A_328 : f32 to vector<16xf32>
        %mul3A_330 = arith.mulf %get3A_327, %mul3A_329 : vector<16xf32>
        %swap3A_331 = arith.constant 1 : i32
        %swap3A_332 = arith.index_cast %swap3A_331 : i32 to index
        %swap3A_333 = arith.index_cast %add3A_273 : i32 to index
        %swap3A_334 = arith.constant 48 : index
        %swap3A_335 = tpu.vector_load %arg6[%swap3A_332, %swap3A_333, %swap3A_334] {strides = array<i32>} : memref<2x512x64xf32, #tpu.memory_space<vmem>>, vector<1x1x16xf32>,
        %swap3A_336 = vector.shape_cast %swap3A_335 : vector<1x1x16xf32> to vector<16xf32>
        %swap3A_337 = vector.shape_cast %mul3A_330 : vector<16xf32> to vector<1x1x16xf32>
        tpu.vector_store %arg6[%swap3A_332, %swap3A_333, %swap3A_334], %swap3A_337 {strides = array<i32>} : memref<2x512x64xf32, #tpu.memory_space<vmem>>, vector<1x1x16xf32>,
        %scan3A_338 = arith.constant 3 : i32
        %scan3A_339 = arith.addi %scan3A_131, %scan3A_338 : i32
        %mul3A_340 = arith.constant 1 : i32
        %mul3A_341 = arith.muli %scan3A_339, %mul3A_340 : i32
        %add3A_342 = arith.constant 0 : i32
        %add3A_343 = arith.addi %add3A_342, %mul3A_341 : i32
        %get3A_344 = arith.constant 1 : i32
        %get3A_345 = arith.index_cast %get3A_344 : i32 to index
        %get3A_346 = arith.index_cast %add3A_343 : i32 to index
        %get3A_347 = arith.constant 0 : index
        %get3A_348 = tpu.vector_load %arg6[%get3A_345, %get3A_346, %get3A_347] {strides = array<i32>} : memref<2x512x64xf32, #tpu.memory_space<vmem>>, vector<1x1x16xf32>,
        %get3A_349 = vector.shape_cast %get3A_348 : vector<1x1x16xf32> to vector<16xf32>
        %mul3A_350 = arith.constant 8.000000e+00 : f32
        %mul3A_351 = vector.broadcast %mul3A_350 : f32 to vector<16xf32>
        %mul3A_352 = arith.mulf %get3A_349, %mul3A_351 : vector<16xf32>
        %swap3A_353 = arith.constant 1 : i32
        %swap3A_354 = arith.index_cast %swap3A_353 : i32 to index
        %swap3A_355 = arith.index_cast %add3A_343 : i32 to index
        %swap3A_356 = arith.constant 0 : index
        %swap3A_357 = tpu.vector_load %arg6[%swap3A_354, %swap3A_355, %swap3A_356] {strides = array<i32>} : memref<2x512x64xf32, #tpu.memory_space<vmem>>, vector<1x1x16xf32>,
        %swap3A_358 = vector.shape_cast %swap3A_357 : vector<1x1x16xf32> to vector<16xf32>
        %swap3A_359 = vector.shape_cast %mul3A_352 : vector<16xf32> to vector<1x1x16xf32>
        tpu.vector_store %arg6[%swap3A_354, %swap3A_355, %swap3A_356], %swap3A_359 {strides = array<i32>} : memref<2x512x64xf32, #tpu.memory_space<vmem>>, vector<1x1x16xf32>,
        %get3A_360 = arith.constant 1 : i32
        %get3A_361 = arith.index_cast %get3A_360 : i32 to index
        %get3A_362 = arith.index_cast %add3A_343 : i32 to index
        %get3A_363 = arith.constant 16 : index
        %get3A_364 = tpu.vector_load %arg6[%get3A_361, %get3A_362, %get3A_363] {strides = array<i32>} : memref<2x512x64xf32, #tpu.memory_space<vmem>>, vector<1x1x16xf32>,
        %get3A_365 = vector.shape_cast %get3A_364 : vector<1x1x16xf32> to vector<16xf32>
        %mul3A_366 = arith.constant 8.000000e+00 : f32
        %mul3A_367 = vector.broadcast %mul3A_366 : f32 to vector<16xf32>
        %mul3A_368 = arith.mulf %get3A_365, %mul3A_367 : vector<16xf32>
        %swap3A_369 = arith.constant 1 : i32
        %swap3A_370 = arith.index_cast %swap3A_369 : i32 to index
        %swap3A_371 = arith.index_cast %add3A_343 : i32 to index
        %swap3A_372 = arith.constant 16 : index
        %swap3A_373 = tpu.vector_load %arg6[%swap3A_370, %swap3A_371, %swap3A_372] {strides = array<i32>} : memref<2x512x64xf32, #tpu.memory_space<vmem>>, vector<1x1x16xf32>,
        %swap3A_374 = vector.shape_cast %swap3A_373 : vector<1x1x16xf32> to vector<16xf32>
        %swap3A_375 = vector.shape_cast %mul3A_368 : vector<16xf32> to vector<1x1x16xf32>
        tpu.vector_store %arg6[%swap3A_370, %swap3A_371, %swap3A_372], %swap3A_375 {strides = array<i32>} : memref<2x512x64xf32, #tpu.memory_space<vmem>>, vector<1x1x16xf32>,
        %get3A_376 = arith.constant 1 : i32
        %get3A_377 = arith.index_cast %get3A_376 : i32 to index
        %get3A_378 = arith.index_cast %add3A_343 : i32 to index
        %get3A_379 = arith.constant 32 : index
        %get3A_380 = tpu.vector_load %arg6[%get3A_377, %get3A_378, %get3A_379] {strides = array<i32>} : memref<2x512x64xf32, #tpu.memory_space<vmem>>, vector<1x1x16xf32>,
        %get3A_381 = vector.shape_cast %get3A_380 : vector<1x1x16xf32> to vector<16xf32>
        %mul3A_382 = arith.constant 8.000000e+00 : f32
        %mul3A_383 = vector.broadcast %mul3A_382 : f32 to vector<16xf32>
        %mul3A_384 = arith.mulf %get3A_381, %mul3A_383 : vector<16xf32>
        %swap3A_385 = arith.constant 1 : i32
        %swap3A_386 = arith.index_cast %swap3A_385 : i32 to index
        %swap3A_387 = arith.index_cast %add3A_343 : i32 to index
        %swap3A_388 = arith.constant 32 : index
        %swap3A_389 = tpu.vector_load %arg6[%swap3A_386, %swap3A_387, %swap3A_388] {strides = array<i32>} : memref<2x512x64xf32, #tpu.memory_space<vmem>>, vector<1x1x16xf32>,
        %swap3A_390 = vector.shape_cast %swap3A_389 : vector<1x1x16xf32> to vector<16xf32>
        %swap3A_391 = vector.shape_cast %mul3A_384 : vector<16xf32> to vector<1x1x16xf32>
        tpu.vector_store %arg6[%swap3A_386, %swap3A_387, %swap3A_388], %swap3A_391 {strides = array<i32>} : memref<2x512x64xf32, #tpu.memory_space<vmem>>, vector<1x1x16xf32>,
        %get3A_392 = arith.constant 1 : i32
        %get3A_393 = arith.index_cast %get3A_392 : i32 to index
        %get3A_394 = arith.index_cast %add3A_343 : i32 to index
        %get3A_395 = arith.constant 48 : index
        %get3A_396 = tpu.vector_load %arg6[%get3A_393, %get3A_394, %get3A_395] {strides = array<i32>} : memref<2x512x64xf32, #tpu.memory_space<vmem>>, vector<1x1x16xf32>,
        %get3A_397 = vector.shape_cast %get3A_396 : vector<1x1x16xf32> to vector<16xf32>
        %mul3A_398 = arith.constant 8.000000e+00 : f32
        %mul3A_399 = vector.broadcast %mul3A_398 : f32 to vector<16xf32>
        %mul3A_400 = arith.mulf %get3A_397, %mul3A_399 : vector<16xf32>
        %swap3A_401 = arith.constant 1 : i32
        %swap3A_402 = arith.index_cast %swap3A_401 : i32 to index
        %swap3A_403 = arith.index_cast %add3A_343 : i32 to index
        %swap3A_404 = arith.constant 48 : index
        %swap3A_405 = tpu.vector_load %arg6[%swap3A_402, %swap3A_403, %swap3A_404] {strides = array<i32>} : memref<2x512x64xf32, #tpu.memory_space<vmem>>, vector<1x1x16xf32>,
        %swap3A_406 = vector.shape_cast %swap3A_405 : vector<1x1x16xf32> to vector<16xf32>
        %swap3A_407 = vector.shape_cast %mul3A_400 : vector<16xf32> to vector<1x1x16xf32>
        tpu.vector_store %arg6[%swap3A_402, %swap3A_403, %swap3A_404], %swap3A_407 {strides = array<i32>} : memref<2x512x64xf32, #tpu.memory_space<vmem>>, vector<1x1x16xf32>,
        %scan3A_408 = arith.constant 4 : i32
        %scan3A_409 = arith.addi %scan3A_131, %scan3A_408 : i32
        %mul3A_410 = arith.constant 1 : i32
        %mul3A_411 = arith.muli %scan3A_409, %mul3A_410 : i32
        %add3A_412 = arith.constant 0 : i32
        %add3A_413 = arith.addi %add3A_412, %mul3A_411 : i32
        %get3A_414 = arith.constant 1 : i32
        %get3A_415 = arith.index_cast %get3A_414 : i32 to index
        %get3A_416 = arith.index_cast %add3A_413 : i32 to index
        %get3A_417 = arith.constant 0 : index
        %get3A_418 = tpu.vector_load %arg6[%get3A_415, %get3A_416, %get3A_417] {strides = array<i32>} : memref<2x512x64xf32, #tpu.memory_space<vmem>>, vector<1x1x16xf32>,
        %get3A_419 = vector.shape_cast %get3A_418 : vector<1x1x16xf32> to vector<16xf32>
        %mul3A_420 = arith.constant 8.000000e+00 : f32
        %mul3A_421 = vector.broadcast %mul3A_420 : f32 to vector<16xf32>
        %mul3A_422 = arith.mulf %get3A_419, %mul3A_421 : vector<16xf32>
        %swap3A_423 = arith.constant 1 : i32
        %swap3A_424 = arith.index_cast %swap3A_423 : i32 to index
        %swap3A_425 = arith.index_cast %add3A_413 : i32 to index
        %swap3A_426 = arith.constant 0 : index
        %swap3A_427 = tpu.vector_load %arg6[%swap3A_424, %swap3A_425, %swap3A_426] {strides = array<i32>} : memref<2x512x64xf32, #tpu.memory_space<vmem>>, vector<1x1x16xf32>,
        %swap3A_428 = vector.shape_cast %swap3A_427 : vector<1x1x16xf32> to vector<16xf32>
        %swap3A_429 = vector.shape_cast %mul3A_422 : vector<16xf32> to vector<1x1x16xf32>
        tpu.vector_store %arg6[%swap3A_424, %swap3A_425, %swap3A_426], %swap3A_429 {strides = array<i32>} : memref<2x512x64xf32, #tpu.memory_space<vmem>>, vector<1x1x16xf32>,
        %get3A_430 = arith.constant 1 : i32
        %get3A_431 = arith.index_cast %get3A_430 : i32 to index
        %get3A_432 = arith.index_cast %add3A_413 : i32 to index
        %get3A_433 = arith.constant 16 : index
        %get3A_434 = tpu.vector_load %arg6[%get3A_431, %get3A_432, %get3A_433] {strides = array<i32>} : memref<2x512x64xf32, #tpu.memory_space<vmem>>, vector<1x1x16xf32>,
        %get3A_435 = vector.shape_cast %get3A_434 : vector<1x1x16xf32> to vector<16xf32>
        %mul3A_436 = arith.constant 8.000000e+00 : f32
        %mul3A_437 = vector.broadcast %mul3A_436 : f32 to vector<16xf32>
        %mul3A_438 = arith.mulf %get3A_435, %mul3A_437 : vector<16xf32>
        %swap3A_439 = arith.constant 1 : i32
        %swap3A_440 = arith.index_cast %swap3A_439 : i32 to index
        %swap3A_441 = arith.index_cast %add3A_413 : i32 to index
        %swap3A_442 = arith.constant 16 : index
        %swap3A_443 = tpu.vector_load %arg6[%swap3A_440, %swap3A_441, %swap3A_442] {strides = array<i32>} : memref<2x512x64xf32, #tpu.memory_space<vmem>>, vector<1x1x16xf32>,
        %swap3A_444 = vector.shape_cast %swap3A_443 : vector<1x1x16xf32> to vector<16xf32>
        %swap3A_445 = vector.shape_cast %mul3A_438 : vector<16xf32> to vector<1x1x16xf32>
        tpu.vector_store %arg6[%swap3A_440, %swap3A_441, %swap3A_442], %swap3A_445 {strides = array<i32>} : memref<2x512x64xf32, #tpu.memory_space<vmem>>, vector<1x1x16xf32>,
        %get3A_446 = arith.constant 1 : i32
        %get3A_447 = arith.index_cast %get3A_446 : i32 to index
        %get3A_448 = arith.index_cast %add3A_413 : i32 to index
        %get3A_449 = arith.constant 32 : index
        %get3A_450 = tpu.vector_load %arg6[%get3A_447, %get3A_448, %get3A_449] {strides = array<i32>} : memref<2x512x64xf32, #tpu.memory_space<vmem>>, vector<1x1x16xf32>,
        %get3A_451 = vector.shape_cast %get3A_450 : vector<1x1x16xf32> to vector<16xf32>
        %mul3A_452 = arith.constant 8.000000e+00 : f32
        %mul3A_453 = vector.broadcast %mul3A_452 : f32 to vector<16xf32>
        %mul3A_454 = arith.mulf %get3A_451, %mul3A_453 : vector<16xf32>
        %swap3A_455 = arith.constant 1 : i32
        %swap3A_456 = arith.index_cast %swap3A_455 : i32 to index
        %swap3A_457 = arith.index_cast %add3A_413 : i32 to index
        %swap3A_458 = arith.constant 32 : index
        %swap3A_459 = tpu.vector_load %arg6[%swap3A_456, %swap3A_457, %swap3A_458] {strides = array<i32>} : memref<2x512x64xf32, #tpu.memory_space<vmem>>, vector<1x1x16xf32>,
        %swap3A_460 = vector.shape_cast %swap3A_459 : vector<1x1x16xf32> to vector<16xf32>
        %swap3A_461 = vector.shape_cast %mul3A_454 : vector<16xf32> to vector<1x1x16xf32>
        tpu.vector_store %arg6[%swap3A_456, %swap3A_457, %swap3A_458], %swap3A_461 {strides = array<i32>} : memref<2x512x64xf32, #tpu.memory_space<vmem>>, vector<1x1x16xf32>,
        %get3A_462 = arith.constant 1 : i32
        %get3A_463 = arith.index_cast %get3A_462 : i32 to index
        %get3A_464 = arith.index_cast %add3A_413 : i32 to index
        %get3A_465 = arith.constant 48 : index
        %get3A_466 = tpu.vector_load %arg6[%get3A_463, %get3A_464, %get3A_465] {strides = array<i32>} : memref<2x512x64xf32, #tpu.memory_space<vmem>>, vector<1x1x16xf32>,
        %get3A_467 = vector.shape_cast %get3A_466 : vector<1x1x16xf32> to vector<16xf32>
        %mul3A_468 = arith.constant 8.000000e+00 : f32
        %mul3A_469 = vector.broadcast %mul3A_468 : f32 to vector<16xf32>
        %mul3A_470 = arith.mulf %get3A_467, %mul3A_469 : vector<16xf32>
        %swap3A_471 = arith.constant 1 : i32
        %swap3A_472 = arith.index_cast %swap3A_471 : i32 to index
        %swap3A_473 = arith.index_cast %add3A_413 : i32 to index
        %swap3A_474 = arith.constant 48 : index
        %swap3A_475 = tpu.vector_load %arg6[%swap3A_472, %swap3A_473, %swap3A_474] {strides = array<i32>} : memref<2x512x64xf32, #tpu.memory_space<vmem>>, vector<1x1x16xf32>,
        %swap3A_476 = vector.shape_cast %swap3A_475 : vector<1x1x16xf32> to vector<16xf32>
        %swap3A_477 = vector.shape_cast %mul3A_470 : vector<16xf32> to vector<1x1x16xf32>
        tpu.vector_store %arg6[%swap3A_472, %swap3A_473, %swap3A_474], %swap3A_477 {strides = array<i32>} : memref<2x512x64xf32, #tpu.memory_space<vmem>>, vector<1x1x16xf32>,
        %scan3A_478 = arith.constant 5 : i32
        %scan3A_479 = arith.addi %scan3A_131, %scan3A_478 : i32
        %mul3A_480 = arith.constant 1 : i32
        %mul3A_481 = arith.muli %scan3A_479, %mul3A_480 : i32
        %add3A_482 = arith.constant 0 : i32
        %add3A_483 = arith.addi %add3A_482, %mul3A_481 : i32
        %get3A_484 = arith.constant 1 : i32
        %get3A_485 = arith.index_cast %get3A_484 : i32 to index
        %get3A_486 = arith.index_cast %add3A_483 : i32 to index
        %get3A_487 = arith.constant 0 : index
        %get3A_488 = tpu.vector_load %arg6[%get3A_485, %get3A_486, %get3A_487] {strides = array<i32>} : memref<2x512x64xf32, #tpu.memory_space<vmem>>, vector<1x1x16xf32>,
        %get3A_489 = vector.shape_cast %get3A_488 : vector<1x1x16xf32> to vector<16xf32>
        %mul3A_490 = arith.constant 8.000000e+00 : f32
        %mul3A_491 = vector.broadcast %mul3A_490 : f32 to vector<16xf32>
        %mul3A_492 = arith.mulf %get3A_489, %mul3A_491 : vector<16xf32>
        %swap3A_493 = arith.constant 1 : i32
        %swap3A_494 = arith.index_cast %swap3A_493 : i32 to index
        %swap3A_495 = arith.index_cast %add3A_483 : i32 to index
        %swap3A_496 = arith.constant 0 : index
        %swap3A_497 = tpu.vector_load %arg6[%swap3A_494, %swap3A_495, %swap3A_496] {strides = array<i32>} : memref<2x512x64xf32, #tpu.memory_space<vmem>>, vector<1x1x16xf32>,
        %swap3A_498 = vector.shape_cast %swap3A_497 : vector<1x1x16xf32> to vector<16xf32>
        %swap3A_499 = vector.shape_cast %mul3A_492 : vector<16xf32> to vector<1x1x16xf32>
        tpu.vector_store %arg6[%swap3A_494, %swap3A_495, %swap3A_496], %swap3A_499 {strides = array<i32>} : memref<2x512x64xf32, #tpu.memory_space<vmem>>, vector<1x1x16xf32>,
        %get3A_500 = arith.constant 1 : i32
        %get3A_501 = arith.index_cast %get3A_500 : i32 to index
        %get3A_502 = arith.index_cast %add3A_483 : i32 to index
        %get3A_503 = arith.constant 16 : index
        %get3A_504 = tpu.vector_load %arg6[%get3A_501, %get3A_502, %get3A_503] {strides = array<i32>} : memref<2x512x64xf32, #tpu.memory_space<vmem>>, vector<1x1x16xf32>,
        %get3A_505 = vector.shape_cast %get3A_504 : vector<1x1x16xf32> to vector<16xf32>
        %mul3A_506 = arith.constant 8.000000e+00 : f32
        %mul3A_507 = vector.broadcast %mul3A_506 : f32 to vector<16xf32>
        %mul3A_508 = arith.mulf %get3A_505, %mul3A_507 : vector<16xf32>
        %swap3A_509 = arith.constant 1 : i32
        %swap3A_510 = arith.index_cast %swap3A_509 : i32 to index
        %swap3A_511 = arith.index_cast %add3A_483 : i32 to index
        %swap3A_512 = arith.constant 16 : index
        %swap3A_513 = tpu.vector_load %arg6[%swap3A_510, %swap3A_511, %swap3A_512] {strides = array<i32>} : memref<2x512x64xf32, #tpu.memory_space<vmem>>, vector<1x1x16xf32>,
        %swap3A_514 = vector.shape_cast %swap3A_513 : vector<1x1x16xf32> to vector<16xf32>
        %swap3A_515 = vector.shape_cast %mul3A_508 : vector<16xf32> to vector<1x1x16xf32>
        tpu.vector_store %arg6[%swap3A_510, %swap3A_511, %swap3A_512], %swap3A_515 {strides = array<i32>} : memref<2x512x64xf32, #tpu.memory_space<vmem>>, vector<1x1x16xf32>,
        %get3A_516 = arith.constant 1 : i32
        %get3A_517 = arith.index_cast %get3A_516 : i32 to index
        %get3A_518 = arith.index_cast %add3A_483 : i32 to index
        %get3A_519 = arith.constant 32 : index
        %get3A_520 = tpu.vector_load %arg6[%get3A_517, %get3A_518, %get3A_519] {strides = array<i32>} : memref<2x512x64xf32, #tpu.memory_space<vmem>>, vector<1x1x16xf32>,
        %get3A_521 = vector.shape_cast %get3A_520 : vector<1x1x16xf32> to vector<16xf32>
        %mul3A_522 = arith.constant 8.000000e+00 : f32
        %mul3A_523 = vector.broadcast %mul3A_522 : f32 to vector<16xf32>
        %mul3A_524 = arith.mulf %get3A_521, %mul3A_523 : vector<16xf32>
        %swap3A_525 = arith.constant 1 : i32
        %swap3A_526 = arith.index_cast %swap3A_525 : i32 to index
        %swap3A_527 = arith.index_cast %add3A_483 : i32 to index
        %swap3A_528 = arith.constant 32 : index
        %swap3A_529 = tpu.vector_load %arg6[%swap3A_526, %swap3A_527, %swap3A_528] {strides = array<i32>} : memref<2x512x64xf32, #tpu.memory_space<vmem>>, vector<1x1x16xf32>,
        %swap3A_530 = vector.shape_cast %swap3A_529 : vector<1x1x16xf32> to vector<16xf32>
        %swap3A_531 = vector.shape_cast %mul3A_524 : vector<16xf32> to vector<1x1x16xf32>
        tpu.vector_store %arg6[%swap3A_526, %swap3A_527, %swap3A_528], %swap3A_531 {strides = array<i32>} : memref<2x512x64xf32, #tpu.memory_space<vmem>>, vector<1x1x16xf32>,
        %get3A_532 = arith.constant 1 : i32
        %get3A_533 = arith.index_cast %get3A_532 : i32 to index
        %get3A_534 = arith.index_cast %add3A_483 : i32 to index
        %get3A_535 = arith.constant 48 : index
        %get3A_536 = tpu.vector_load %arg6[%get3A_533, %get3A_534, %get3A_535] {strides = array<i32>} : memref<2x512x64xf32, #tpu.memory_space<vmem>>, vector<1x1x16xf32>,
        %get3A_537 = vector.shape_cast %get3A_536 : vector<1x1x16xf32> to vector<16xf32>
        %mul3A_538 = arith.constant 8.000000e+00 : f32
        %mul3A_539 = vector.broadcast %mul3A_538 : f32 to vector<16xf32>
        %mul3A_540 = arith.mulf %get3A_537, %mul3A_539 : vector<16xf32>
        %swap3A_541 = arith.constant 1 : i32
        %swap3A_542 = arith.index_cast %swap3A_541 : i32 to index
        %swap3A_543 = arith.index_cast %add3A_483 : i32 to index
        %swap3A_544 = arith.constant 48 : index
        %swap3A_545 = tpu.vector_load %arg6[%swap3A_542, %swap3A_543, %swap3A_544] {strides = array<i32>} : memref<2x512x64xf32, #tpu.memory_space<vmem>>, vector<1x1x16xf32>,
        %swap3A_546 = vector.shape_cast %swap3A_545 : vector<1x1x16xf32> to vector<16xf32>
        %swap3A_547 = vector.shape_cast %mul3A_540 : vector<16xf32> to vector<1x1x16xf32>
        tpu.vector_store %arg6[%swap3A_542, %swap3A_543, %swap3A_544], %swap3A_547 {strides = array<i32>} : memref<2x512x64xf32, #tpu.memory_space<vmem>>, vector<1x1x16xf32>,
        %scan3A_548 = arith.constant 6 : i32
        %scan3A_549 = arith.addi %scan3A_131, %scan3A_548 : i32
        %mul3A_550 = arith.constant 1 : i32
        %mul3A_551 = arith.muli %scan3A_549, %mul3A_550 : i32
        %add3A_552 = arith.constant 0 : i32
        %add3A_553 = arith.addi %add3A_552, %mul3A_551 : i32
        %get3A_554 = arith.constant 1 : i32
        %get3A_555 = arith.index_cast %get3A_554 : i32 to index
        %get3A_556 = arith.index_cast %add3A_553 : i32 to index
        %get3A_557 = arith.constant 0 : index
        %get3A_558 = tpu.vector_load %arg6[%get3A_555, %get3A_556, %get3A_557] {strides = array<i32>} : memref<2x512x64xf32, #tpu.memory_space<vmem>>, vector<1x1x16xf32>,
        %get3A_559 = vector.shape_cast %get3A_558 : vector<1x1x16xf32> to vector<16xf32>
        %mul3A_560 = arith.constant 8.000000e+00 : f32
        %mul3A_561 = vector.broadcast %mul3A_560 : f32 to vector<16xf32>
        %mul3A_562 = arith.mulf %get3A_559, %mul3A_561 : vector<16xf32>
        %swap3A_563 = arith.constant 1 : i32
        %swap3A_564 = arith.index_cast %swap3A_563 : i32 to index
        %swap3A_565 = arith.index_cast %add3A_553 : i32 to index
        %swap3A_566 = arith.constant 0 : index
        %swap3A_567 = tpu.vector_load %arg6[%swap3A_564, %swap3A_565, %swap3A_566] {strides = array<i32>} : memref<2x512x64xf32, #tpu.memory_space<vmem>>, vector<1x1x16xf32>,
        %swap3A_568 = vector.shape_cast %swap3A_567 : vector<1x1x16xf32> to vector<16xf32>
        %swap3A_569 = vector.shape_cast %mul3A_562 : vector<16xf32> to vector<1x1x16xf32>
        tpu.vector_store %arg6[%swap3A_564, %swap3A_565, %swap3A_566], %swap3A_569 {strides = array<i32>} : memref<2x512x64xf32, #tpu.memory_space<vmem>>, vector<1x1x16xf32>,
        %get3A_570 = arith.constant 1 : i32
        %get3A_571 = arith.index_cast %get3A_570 : i32 to index
        %get3A_572 = arith.index_cast %add3A_553 : i32 to index
        %get3A_573 = arith.constant 16 : index
        %get3A_574 = tpu.vector_load %arg6[%get3A_571, %get3A_572, %get3A_573] {strides = array<i32>} : memref<2x512x64xf32, #tpu.memory_space<vmem>>, vector<1x1x16xf32>,
        %get3A_575 = vector.shape_cast %get3A_574 : vector<1x1x16xf32> to vector<16xf32>
        %mul3A_576 = arith.constant 8.000000e+00 : f32
        %mul3A_577 = vector.broadcast %mul3A_576 : f32 to vector<16xf32>
        %mul3A_578 = arith.mulf %get3A_575, %mul3A_577 : vector<16xf32>
        %swap3A_579 = arith.constant 1 : i32
        %swap3A_580 = arith.index_cast %swap3A_579 : i32 to index
        %swap3A_581 = arith.index_cast %add3A_553 : i32 to index
        %swap3A_582 = arith.constant 16 : index
        %swap3A_583 = tpu.vector_load %arg6[%swap3A_580, %swap3A_581, %swap3A_582] {strides = array<i32>} : memref<2x512x64xf32, #tpu.memory_space<vmem>>, vector<1x1x16xf32>,
        %swap3A_584 = vector.shape_cast %swap3A_583 : vector<1x1x16xf32> to vector<16xf32>
        %swap3A_585 = vector.shape_cast %mul3A_578 : vector<16xf32> to vector<1x1x16xf32>
        tpu.vector_store %arg6[%swap3A_580, %swap3A_581, %swap3A_582], %swap3A_585 {strides = array<i32>} : memref<2x512x64xf32, #tpu.memory_space<vmem>>, vector<1x1x16xf32>,
        %get3A_586 = arith.constant 1 : i32
        %get3A_587 = arith.index_cast %get3A_586 : i32 to index
        %get3A_588 = arith.index_cast %add3A_553 : i32 to index
        %get3A_589 = arith.constant 32 : index
        %get3A_590 = tpu.vector_load %arg6[%get3A_587, %get3A_588, %get3A_589] {strides = array<i32>} : memref<2x512x64xf32, #tpu.memory_space<vmem>>, vector<1x1x16xf32>,
        %get3A_591 = vector.shape_cast %get3A_590 : vector<1x1x16xf32> to vector<16xf32>
        %mul3A_592 = arith.constant 8.000000e+00 : f32
        %mul3A_593 = vector.broadcast %mul3A_592 : f32 to vector<16xf32>
        %mul3A_594 = arith.mulf %get3A_591, %mul3A_593 : vector<16xf32>
        %swap3A_595 = arith.constant 1 : i32
        %swap3A_596 = arith.index_cast %swap3A_595 : i32 to index
        %swap3A_597 = arith.index_cast %add3A_553 : i32 to index
        %swap3A_598 = arith.constant 32 : index
        %swap3A_599 = tpu.vector_load %arg6[%swap3A_596, %swap3A_597, %swap3A_598] {strides = array<i32>} : memref<2x512x64xf32, #tpu.memory_space<vmem>>, vector<1x1x16xf32>,
        %swap3A_600 = vector.shape_cast %swap3A_599 : vector<1x1x16xf32> to vector<16xf32>
        %swap3A_601 = vector.shape_cast %mul3A_594 : vector<16xf32> to vector<1x1x16xf32>
        tpu.vector_store %arg6[%swap3A_596, %swap3A_597, %swap3A_598], %swap3A_601 {strides = array<i32>} : memref<2x512x64xf32, #tpu.memory_space<vmem>>, vector<1x1x16xf32>,
        %get3A_602 = arith.constant 1 : i32
        %get3A_603 = arith.index_cast %get3A_602 : i32 to index
        %get3A_604 = arith.index_cast %add3A_553 : i32 to index
        %get3A_605 = arith.constant 48 : index
        %get3A_606 = tpu.vector_load %arg6[%get3A_603, %get3A_604, %get3A_605] {strides = array<i32>} : memref<2x512x64xf32, #tpu.memory_space<vmem>>, vector<1x1x16xf32>,
        %get3A_607 = vector.shape_cast %get3A_606 : vector<1x1x16xf32> to vector<16xf32>
        %mul3A_608 = arith.constant 8.000000e+00 : f32
        %mul3A_609 = vector.broadcast %mul3A_608 : f32 to vector<16xf32>
        %mul3A_610 = arith.mulf %get3A_607, %mul3A_609 : vector<16xf32>
        %swap3A_611 = arith.constant 1 : i32
        %swap3A_612 = arith.index_cast %swap3A_611 : i32 to index
        %swap3A_613 = arith.index_cast %add3A_553 : i32 to index
        %swap3A_614 = arith.constant 48 : index
        %swap3A_615 = tpu.vector_load %arg6[%swap3A_612, %swap3A_613, %swap3A_614] {strides = array<i32>} : memref<2x512x64xf32, #tpu.memory_space<vmem>>, vector<1x1x16xf32>,
        %swap3A_616 = vector.shape_cast %swap3A_615 : vector<1x1x16xf32> to vector<16xf32>
        %swap3A_617 = vector.shape_cast %mul3A_610 : vector<16xf32> to vector<1x1x16xf32>
        tpu.vector_store %arg6[%swap3A_612, %swap3A_613, %swap3A_614], %swap3A_617 {strides = array<i32>} : memref<2x512x64xf32, #tpu.memory_space<vmem>>, vector<1x1x16xf32>,
        %scan3A_618 = arith.constant 7 : i32
        %scan3A_619 = arith.addi %scan3A_131, %scan3A_618 : i32
        %mul3A_620 = arith.constant 1 : i32
        %mul3A_621 = arith.muli %scan3A_619, %mul3A_620 : i32
        %add3A_622 = arith.constant 0 : i32
        %add3A_623 = arith.addi %add3A_622, %mul3A_621 : i32
        %get3A_624 = arith.constant 1 : i32
        %get3A_625 = arith.index_cast %get3A_624 : i32 to index
        %get3A_626 = arith.index_cast %add3A_623 : i32 to index
        %get3A_627 = arith.constant 0 : index
        %get3A_628 = tpu.vector_load %arg6[%get3A_625, %get3A_626, %get3A_627] {strides = array<i32>} : memref<2x512x64xf32, #tpu.memory_space<vmem>>, vector<1x1x16xf32>,
        %get3A_629 = vector.shape_cast %get3A_628 : vector<1x1x16xf32> to vector<16xf32>
        %mul3A_630 = arith.constant 8.000000e+00 : f32
        %mul3A_631 = vector.broadcast %mul3A_630 : f32 to vector<16xf32>
        %mul3A_632 = arith.mulf %get3A_629, %mul3A_631 : vector<16xf32>
        %swap3A_633 = arith.constant 1 : i32
        %swap3A_634 = arith.index_cast %swap3A_633 : i32 to index
        %swap3A_635 = arith.index_cast %add3A_623 : i32 to index
        %swap3A_636 = arith.constant 0 : index
        %swap3A_637 = tpu.vector_load %arg6[%swap3A_634, %swap3A_635, %swap3A_636] {strides = array<i32>} : memref<2x512x64xf32, #tpu.memory_space<vmem>>, vector<1x1x16xf32>,
        %swap3A_638 = vector.shape_cast %swap3A_637 : vector<1x1x16xf32> to vector<16xf32>
        %swap3A_639 = vector.shape_cast %mul3A_632 : vector<16xf32> to vector<1x1x16xf32>
        tpu.vector_store %arg6[%swap3A_634, %swap3A_635, %swap3A_636], %swap3A_639 {strides = array<i32>} : memref<2x512x64xf32, #tpu.memory_space<vmem>>, vector<1x1x16xf32>,
        %get3A_640 = arith.constant 1 : i32
        %get3A_641 = arith.index_cast %get3A_640 : i32 to index
        %get3A_642 = arith.index_cast %add3A_623 : i32 to index
        %get3A_643 = arith.constant 16 : index
        %get3A_644 = tpu.vector_load %arg6[%get3A_641, %get3A_642, %get3A_643] {strides = array<i32>} : memref<2x512x64xf32, #tpu.memory_space<vmem>>, vector<1x1x16xf32>,
        %get3A_645 = vector.shape_cast %get3A_644 : vector<1x1x16xf32> to vector<16xf32>
        %mul3A_646 = arith.constant 8.000000e+00 : f32
        %mul3A_647 = vector.broadcast %mul3A_646 : f32 to vector<16xf32>
        %mul3A_648 = arith.mulf %get3A_645, %mul3A_647 : vector<16xf32>
        %swap3A_649 = arith.constant 1 : i32
        %swap3A_650 = arith.index_cast %swap3A_649 : i32 to index
        %swap3A_651 = arith.index_cast %add3A_623 : i32 to index
        %swap3A_652 = arith.constant 16 : index
        %swap3A_653 = tpu.vector_load %arg6[%swap3A_650, %swap3A_651, %swap3A_652] {strides = array<i32>} : memref<2x512x64xf32, #tpu.memory_space<vmem>>, vector<1x1x16xf32>,
        %swap3A_654 = vector.shape_cast %swap3A_653 : vector<1x1x16xf32> to vector<16xf32>
        %swap3A_655 = vector.shape_cast %mul3A_648 : vector<16xf32> to vector<1x1x16xf32>
        tpu.vector_store %arg6[%swap3A_650, %swap3A_651, %swap3A_652], %swap3A_655 {strides = array<i32>} : memref<2x512x64xf32, #tpu.memory_space<vmem>>, vector<1x1x16xf32>,
        %get3A_656 = arith.constant 1 : i32
        %get3A_657 = arith.index_cast %get3A_656 : i32 to index
        %get3A_658 = arith.index_cast %add3A_623 : i32 to index
        %get3A_659 = arith.constant 32 : index
        %get3A_660 = tpu.vector_load %arg6[%get3A_657, %get3A_658, %get3A_659] {strides = array<i32>} : memref<2x512x64xf32, #tpu.memory_space<vmem>>, vector<1x1x16xf32>,
        %get3A_661 = vector.shape_cast %get3A_660 : vector<1x1x16xf32> to vector<16xf32>
        %mul3A_662 = arith.constant 8.000000e+00 : f32
        %mul3A_663 = vector.broadcast %mul3A_662 : f32 to vector<16xf32>
        %mul3A_664 = arith.mulf %get3A_661, %mul3A_663 : vector<16xf32>
        %swap3A_665 = arith.constant 1 : i32
        %swap3A_666 = arith.index_cast %swap3A_665 : i32 to index
        %swap3A_667 = arith.index_cast %add3A_623 : i32 to index
        %swap3A_668 = arith.constant 32 : index
        %swap3A_669 = tpu.vector_load %arg6[%swap3A_666, %swap3A_667, %swap3A_668] {strides = array<i32>} : memref<2x512x64xf32, #tpu.memory_space<vmem>>, vector<1x1x16xf32>,
        %swap3A_670 = vector.shape_cast %swap3A_669 : vector<1x1x16xf32> to vector<16xf32>
        %swap3A_671 = vector.shape_cast %mul3A_664 : vector<16xf32> to vector<1x1x16xf32>
        tpu.vector_store %arg6[%swap3A_666, %swap3A_667, %swap3A_668], %swap3A_671 {strides = array<i32>} : memref<2x512x64xf32, #tpu.memory_space<vmem>>, vector<1x1x16xf32>,
        %get3A_672 = arith.constant 1 : i32
        %get3A_673 = arith.index_cast %get3A_672 : i32 to index
        %get3A_674 = arith.index_cast %add3A_623 : i32 to index
        %get3A_675 = arith.constant 48 : index
        %get3A_676 = tpu.vector_load %arg6[%get3A_673, %get3A_674, %get3A_675] {strides = array<i32>} : memref<2x512x64xf32, #tpu.memory_space<vmem>>, vector<1x1x16xf32>,
        %get3A_677 = vector.shape_cast %get3A_676 : vector<1x1x16xf32> to vector<16xf32>
        %mul3A_678 = arith.constant 8.000000e+00 : f32
        %mul3A_679 = vector.broadcast %mul3A_678 : f32 to vector<16xf32>
        %mul3A_680 = arith.mulf %get3A_677, %mul3A_679 : vector<16xf32>
        %swap3A_681 = arith.constant 1 : i32
        %swap3A_682 = arith.index_cast %swap3A_681 : i32 to index
        %swap3A_683 = arith.index_cast %add3A_623 : i32 to index
        %swap3A_684 = arith.constant 48 : index
        %swap3A_685 = tpu.vector_load %arg6[%swap3A_682, %swap3A_683, %swap3A_684] {strides = array<i32>} : memref<2x512x64xf32, #tpu.memory_space<vmem>>, vector<1x1x16xf32>,
        %swap3A_686 = vector.shape_cast %swap3A_685 : vector<1x1x16xf32> to vector<16xf32>
        %swap3A_687 = vector.shape_cast %mul3A_680 : vector<16xf32> to vector<1x1x16xf32>
        tpu.vector_store %arg6[%swap3A_682, %swap3A_683, %swap3A_684], %swap3A_687 {strides = array<i32>} : memref<2x512x64xf32, #tpu.memory_space<vmem>>, vector<1x1x16xf32>,
      }
      %scan3A_114 = arith.constant 512 : i32
      %mul3A_115 = arith.constant 512 : i32
      %mul3A_116 = arith.muli %add3A_90, %mul3A_115 : i32
      %add3A_117 = arith.addi %mul3A_2, %mul3A_116 : i32
      %dma_start3A_118 = arith.constant 1 : i32
      %dma_start3A_119 = arith.constant 0 : i32
      %dma_start3A_120 = arith.constant 0 : i32
      %dma_start3A_121 = tpu.memref_slice %arg6[%dma_start3A_118, %dma_start3A_119, %dma_start3A_120] : memref<2x512x64xf32, #tpu.memory_space<vmem>> -> memref<1x512x64xf32, #tpu.memory_space<vmem>>
      %dma_start3A_122 = tpu.memref_squeeze %dma_start3A_121 : memref<1x512x64xf32, #tpu.memory_space<vmem>> -> memref<512x64xf32, #tpu.memory_space<vmem>>
      %dma_start3A_123 = arith.constant 0 : i32
      %dma_start3A_124 = tpu.memref_slice %arg4[%add3A_117, %dma_start3A_123] : memref<3276800x64xf32, #tpu.memory_space<hbm>> -> memref<512x64xf32, #tpu.memory_space<hbm>>
      %dma_start3A_125 = arith.constant 0 : i32
      %dma_start3A_126 = tpu.memref_slice %arg4[%add3A_117, %dma_start3A_125] : memref<3276800x64xf32, #tpu.memory_space<hbm>> -> memref<512x64xf32, #tpu.memory_space<hbm>>
      %dma_start3A_127 = arith.constant 0 : i32
      %dma_start3A_128 = arith.constant 0 : i32
      %dma_start3A_129 = tpu.memref_slice %arg6[%dma_start3A_118, %dma_start3A_127, %dma_start3A_128] : memref<2x512x64xf32, #tpu.memory_space<vmem>> -> memref<1x512x64xf32, #tpu.memory_space<vmem>>
      %dma_start3A_130 = tpu.memref_squeeze %dma_start3A_129 : memref<1x512x64xf32, #tpu.memory_space<vmem>> -> memref<512x64xf32, #tpu.memory_space<vmem>>
      tpu.enqueue_dma source(%dma_start3A_130 : memref<512x64xf32, #tpu.memory_space<vmem>>) target(%dma_start3A_126 : memref<512x64xf32, #tpu.memory_space<hbm>>) target_semaphore(%arg10 : memref<!tpu.dma_semaphore, #tpu.memory_space<semaphore_mem>>)
    }
    %scan3A_19 = arith.constant 100 : i32
    %dma_wait3A = arith.constant 0 : i32
    %dma_wait3A_20 = arith.constant 0 : i32
    %dma_wait3A_21 = arith.constant 0 : i32
    %dma_wait3A_22 = tpu.memref_slice %arg6[%dma_wait3A, %dma_wait3A_20, %dma_wait3A_21] : memref<2x512x64xf32, #tpu.memory_space<vmem>> -> memref<1x512x64xf32, #tpu.memory_space<vmem>>
    %dma_wait3A_23 = tpu.memref_squeeze %dma_wait3A_22 : memref<1x512x64xf32, #tpu.memory_space<vmem>> -> memref<512x64xf32, #tpu.memory_space<vmem>>
    %dma_wait3A_24 = arith.constant 0 : i32
    %dma_wait3A_25 = tpu.memref_slice %arg4[%mul3A_2, %dma_wait3A_24] : memref<3276800x64xf32, #tpu.memory_space<hbm>> -> memref<512x64xf32, #tpu.memory_space<hbm>>
    %dma_wait3A_26 = arith.constant 0 : i32
    %dma_wait3A_27 = tpu.memref_slice %arg4[%mul3A_2, %dma_wait3A_26] : memref<3276800x64xf32, #tpu.memory_space<hbm>> -> memref<512x64xf32, #tpu.memory_space<hbm>>
    %dma_wait3A_28 = arith.constant 0 : i32
    %dma_wait3A_29 = arith.constant 0 : i32
    %dma_wait3A_30 = tpu.memref_slice %arg6[%dma_wait3A, %dma_wait3A_28, %dma_wait3A_29] : memref<2x512x64xf32, #tpu.memory_space<vmem>> -> memref<1x512x64xf32, #tpu.memory_space<vmem>>
    %dma_wait3A_31 = tpu.memref_squeeze %dma_wait3A_30 : memref<1x512x64xf32, #tpu.memory_space<vmem>> -> memref<512x64xf32, #tpu.memory_space<vmem>>
    tpu.wait_dma2 semaphore(%arg9 : memref<!tpu.dma_semaphore, #tpu.memory_space<semaphore_mem>>) src(%dma_wait3A_31 : memref<512x64xf32, #tpu.memory_space<vmem>>) dst(%dma_wait3A_27 : memref<512x64xf32, #tpu.memory_space<hbm>>)
    %dma_wait3A_32 = arith.constant 1 : i32
    %dma_wait3A_33 = arith.constant 0 : i32
    %dma_wait3A_34 = arith.constant 0 : i32
    %dma_wait3A_35 = tpu.memref_slice %arg6[%dma_wait3A_32, %dma_wait3A_33, %dma_wait3A_34] : memref<2x512x64xf32, #tpu.memory_space<vmem>> -> memref<1x512x64xf32, #tpu.memory_space<vmem>>
    %dma_wait3A_36 = tpu.memref_squeeze %dma_wait3A_35 : memref<1x512x64xf32, #tpu.memory_space<vmem>> -> memref<512x64xf32, #tpu.memory_space<vmem>>
    %dma_wait3A_37 = arith.constant 0 : i32
    %dma_wait3A_38 = tpu.memref_slice %arg4[%mul3A_2, %dma_wait3A_37] : memref<3276800x64xf32, #tpu.memory_space<hbm>> -> memref<512x64xf32, #tpu.memory_space<hbm>>
    %dma_wait3A_39 = arith.constant 0 : i32
    %dma_wait3A_40 = tpu.memref_slice %arg4[%mul3A_2, %dma_wait3A_39] : memref<3276800x64xf32, #tpu.memory_space<hbm>> -> memref<512x64xf32, #tpu.memory_space<hbm>>
    %dma_wait3A_41 = arith.constant 0 : i32
    %dma_wait3A_42 = arith.constant 0 : i32
    %dma_wait3A_43 = tpu.memref_slice %arg6[%dma_wait3A_32, %dma_wait3A_41, %dma_wait3A_42] : memref<2x512x64xf32, #tpu.memory_space<vmem>> -> memref<1x512x64xf32, #tpu.memory_space<vmem>>
    %dma_wait3A_44 = tpu.memref_squeeze %dma_wait3A_43 : memref<1x512x64xf32, #tpu.memory_space<vmem>> -> memref<512x64xf32, #tpu.memory_space<vmem>>
    tpu.wait_dma2 semaphore(%arg10 : memref<!tpu.dma_semaphore, #tpu.memory_space<semaphore_mem>>) src(%dma_wait3A_44 : memref<512x64xf32, #tpu.memory_space<vmem>>) dst(%dma_wait3A_40 : memref<512x64xf32, #tpu.memory_space<hbm>>)
    return
  }
}

</mosaic_0001>

<sc_bundles>
// kernel: _embed_lookup.3.cloned.1.call-start
scs
__scs_entry_jumppad:
0x0: {  	(pc) =	sbr.rel $0x88, $3  }
0x1: {  	(tag) =	ssettag $0x0;
	lr =	simm.s32 $0x1  }
0x2: {  	[smem:$0x3F9F] =	sst lr;
	_ =	strace $0xD0000000  }
0x3: {  	_ = 	snop  }
0x4: {  	_ = 	snop  }
0x5: {  	_ = 	snop  }
0x6: {  	_ = 	snop  }
0x7: {  	_ = 	snop  }
__scs_overlays_trampoline_lowered:
0x8: {  	[smem:$0x3FAE] =	sst s0  }
0x9: {  	[smem:$0x3FAF] =	sst s1  }
0xa: {  	[smem:$0x3FB0] =	sst s2  }
0xb: {  	[smem:$0x3FB1] =	sst s3  }
0xc: {  	[smem:$0x3FB2] =	sst s4  }
0xd: {  	[smem:$0x3FB3] =	sst s5  }
0xe: {  	[smem:$0x3FB4] =	sst s6  }
0xf: {  	[smem:$0x3FB5] =	sst s7  }
0x10: {  	[smem:$0x3FB6] =	sst s8  }
0x11: {  	[smem:$0x3FB7] =	sst s9;
	s0 =	simm.s32 @!p0 $0x0  }
0x12: {  	s1 =	sld [smem:$0x3F9D];
	s0 =	simm.s32 @p0 $0x1  }
0x13: {  	[smem:$0x3FB8] =	sst s0;
	s0 =	simm.s32 @!p1 $0x0  }
0x14: {  	s2 =	sld [smem:$0x3F9C];
	s0 =	simm.s32 @p1 $0x1  }
0x15: {  	[smem:$0x3FB9] =	sst s0;
	s0 =	simm.s32 @!p2 $0x0  }
0x16: {  	s3 =	sld [smem:$0x3FDB];
	s0 =	simm.s32 @p2 $0x1  }
0x17: {  	s4 =	simm.s32 $0x1BF5;
	[smem:$0x3FBB] =	sst s0  }
0x18: {  	s0 =	sld [smem:$0x3F9E];
	_ =	swait.ge [sflag:s4], $0x0  }
0x19: {  	s7 =	sld [smem:$0x3F9F]  }
0x1a: {  	s8 =	sadd.s32 $0xFFFFE003, lr  }
0x1b: {  	s9 =	sadd.s32 $0xFFFFFEF7, lr;
	s5 =	simm.s32 $0xFFFFFFFF;
	p2 =	slt.u32 s8, $0xFFFFF086  }
0x1c: {  	p1 =	slt.u32 s9, $0xF7A;
	s5 =	simm.s32 @!p2 $0x0  }
0x1d: {  	s5 =	simm.s32 @p1 $0x1;
	p0 =	seq.s32 s7, s2  }
0x1e: {  	s7 =	smul.u32 @!p0 $0xF7A, s2;
	p2 =	seq.s32 @!p0 s5, $0x0  }
0x1f: {  	s9 =	smul.u32 $0xF7A, s1;
	s8 =	simm.s32 @!p0 $0x1BF5;
	p2 =	por !p2, p0  }
0x20: {  	[sflag:s8] =	ssyncset.s32 @!p0 $0xFFFFF086;
	s6 =	sadd.s32 @!p0 s3, s7;
	s7 =	simm.s32 @!p0 $0x108  }
0x21: {  	s3 =	sadd.s32 s3, s9;
	s6 =	sadd.s32 @!p0 $0x88, s6;
	s7 =	simm.s32 @p2 $0x1082  }
0x22: {  	[simem:s7], [sflag:s8] =	dma.local @!p0 [hbm:s6], $0xF7A  }
0x23: {  	s9 =	sor.u32 $0xD0000000, s2;
	s6 =	simm.s32 $0x108;
	_ =	swait.ge @!p0 [sflag:s8], $0x0  }
0x24: {  	s3 =	sadd.s32 $0x88, s3;
	s6 =	simm.s32 @!p1 $0x1082;
	[sflag:s4] =	ssyncset.s32 $0xFFFFF086  }
0x25: {  	[simem:s6], [sflag:s4] =	dma.local [hbm:s3], $0xF7A  }
0x26: {  	[smem:$0x3F9F] =	sst s1;
	(tag) =	ssettag s2;
	_ =	strace s9  }
0x27: {  	s1 =	sld [smem:$0x3FAF]  }
0x28: {  	s2 =	sld [smem:$0x3FB0]  }
0x29: {  	s4 =	sld [smem:$0x3FB2]  }
0x2a: {  	p0 =	seq.s32 s5, $0x0;
	s5 =	sld [smem:$0x3FB3]  }
0x2b: {  	s6 =	sld [smem:$0x3FB4]  }
0x2c: {  	s7 =	sld [smem:$0x3FB5]  }
0x2d: {  	s3 =	simm.s32 $0x108;
	s8 =	sld [smem:$0x3FB6]  }
0x2e: {  	s3 =	simm.s32 @!p0 $0x1082;
	s9 =	sld [smem:$0x3FB7]  }
0x2f: {  	lr =	sadd.s32 s0, s3;
	s0 =	sld [smem:$0x3FAE]  }
0x30: {  	s3 =	sld [smem:$0x3FB1]  }
0x31: {  	[smem:$0x3FBA] =	sst s10  }
0x32: {  	s10 =	sld [smem:$0x3FB8];
	_ =	sdelay $0x3  }
0x33: {  	p0 =	seq.s32 s10, $0x1;
	s10 =	sld [smem:$0x3FBA];
	_ =	sdelay $0x3  }
0x34: {  	[smem:$0x3FBA] =	sst s10  }
0x35: {  	s10 =	sld [smem:$0x3FB9];
	_ =	sdelay $0x3  }
0x36: {  	p1 =	seq.s32 s10, $0x1;
	s10 =	sld [smem:$0x3FBA];
	_ =	sdelay $0x3  }
0x37: {  	[smem:$0x3FBA] =	sst s10  }
0x38: {  	s10 =	sld [smem:$0x3FBB]  }
0x39: {  	_ = 	snop;
	(pc) =	sbr.ind lr, $3  }
0x3a: {  	_ = 	snop  }
0x3b: {  	_ = 	snop  }
0x3c: {  	p2 =	seq.s32 s10, $0x1;
	s10 =	sld [smem:$0x3FBA]  }
0x3d: {  	_ =	shalt  }
0x3e: {  	_ =	shalt  }
0x3f: {  	_ =	shalt  }
0x40: {  	_ =	shalt  }
0x41: {  	_ =	shalt  }
0x42: {  	_ =	shalt  }
0x43: {  	_ =	shalt  }
0x44: {  	_ =	shalt  }
0x45: {  	_ =	shalt  }
0x46: {  	_ =	shalt  }
0x47: {  	_ =	shalt  }
0x48: {  	_ =	shalt  }
0x49: {  	_ =	shalt  }
0x4a: {  	_ =	shalt  }
0x4b: {  	_ =	shalt  }
0x4c: {  	_ =	shalt  }
0x4d: {  	_ =	shalt  }
0x4e: {  	_ =	shalt  }
0x4f: {  	_ =	shalt  }
0x50: {  	_ =	shalt  }
0x51: {  	_ =	shalt  }
0x52: {  	_ =	shalt  }
0x53: {  	_ =	shalt  }
0x54: {  	_ =	shalt  }
0x55: {  	_ =	shalt  }
0x56: {  	_ =	shalt  }
0x57: {  	_ =	shalt  }
0x58: {  	_ =	shalt  }
0x59: {  	_ =	shalt  }
0x5a: {  	_ =	shalt  }
0x5b: {  	_ =	shalt  }
0x5c: {  	_ =	shalt  }
0x5d: {  	_ =	shalt  }
0x5e: {  	_ =	shalt  }
0x5f: {  	_ =	shalt  }
0x60: {  	_ =	shalt  }
0x61: {  	_ =	shalt  }
0x62: {  	_ =	shalt  }
0x63: {  	_ =	shalt  }
0x64: {  	_ =	shalt  }
0x65: {  	_ =	shalt  }
0x66: {  	_ =	shalt  }
0x67: {  	_ =	shalt  }
0x68: {  	_ =	shalt  }
0x69: {  	_ =	shalt  }
0x6a: {  	_ =	shalt  }
0x6b: {  	_ =	shalt  }
0x6c: {  	_ =	shalt  }
0x6d: {  	_ =	shalt  }
0x6e: {  	_ =	shalt  }
0x6f: {  	_ =	shalt  }
0x70: {  	_ =	shalt  }
0x71: {  	_ =	shalt  }
0x72: {  	_ =	shalt  }
0x73: {  	_ =	shalt  }
0x74: {  	_ =	shalt  }
0x75: {  	_ =	shalt  }
0x76: {  	_ =	shalt  }
0x77: {  	_ =	shalt  }
0x78: {  	_ =	shalt  }
0x79: {  	_ =	shalt  }
0x7a: {  	_ =	shalt  }
0x7b: {  	_ =	shalt  }
0x7c: {  	_ =	shalt  }
0x7d: {  	_ =	shalt  }
0x7e: {  	_ =	shalt  }
0x7f: {  	_ =	shalt  }
0x80: {  	_ =	shalt  }
0x81: {  	_ =	shalt  }
0x82: {  	_ =	shalt  }
0x83: {  	_ =	shalt  }
0x84: {  	_ =	shalt  }
0x85: {  	_ =	shalt  }
0x86: {  	_ =	shalt  }
0x87: {  	_ =	shalt  }
.Lfunc_end0:
.L_simem_size_0:
called_computation.1_lowered:
.L_overlay_start_0:
0x88: {  	s2 =	sld [smem:$0x3FD9]  }
0x89: {  	s3 =	sld [smem:$0x3FFE];
	_ =	sdelay $0x1  }
0x8a: {  	s1 =	srdreg.scid  }
0x8b: {  	s0 =	sand.u32 $0x1, s1  }
0x8c: {  	s17 =	sshll.u32 s0, $0xA;
	s2 =	sadd.s32 s3, s2  }
0x8d: {  	s2 =	sadd.s32 s2, s17  }
0x8e: {  	[smem:$0x3FC6] =	sst s2  }
0x8f: {  	_ = 	snop  }
0x90: {  	s2 =	sld [smem:$0x3FC9]  }
0x91: {  	s18 =	sld [smem:$0x3FD0];
	(tm) =	ssettm $0x1  }
0x92: {  	s4 =	sld [smem:$0x3FFB];
	_ =	sdelay $0x3  }
0x93: {  	_ =	strace s4  }
0x94: {  	s4 =	sld [smem:$0x3FFC];
	_ =	sdelay $0x3  }
0x95: {  	_ =	strace s4  }
0x96: {  	s4 =	sld [smem:$0x3FFD];
	_ =	sdelay $0x3  }
0x97: {  	_ =	strace s4  }
0x98: {  	_ =	strace $0x8FFFFFFF  }
0x99: {  	s19 =	sld [smem:$0x3FDB];
	_ =	sdelay $0x1  }
0x9a: {  	s5 =	simm.s32 $_scs_section_size  }
0x9b: {  	s6 =	simm.s32 $_size__tile_overlayer_lowered;
	s7 =	simm.s32 $_tile_overlayer_lowered  }
0x9c: {  	s22 =	simm.s32 $0x1BFF;
	s21 =	sshll.u32 s7, $0x1;
	s4 =	sadd.s32 s5, s19  }
0x9d: {  	s8 =	simm.s32 $0x0;
	s20 =	sshll.u32 s6, $0x1;
	s6 =	sadd.s32 s21, s4  }
0x9e: {  	[timem:s8], [sflag:s22] =	dma.local [hbm:s6], s20  }
0x9f: {  	_ =	swait.ge [sflag:s22], s20  }
0xa0: {  	s5 =	ssub.s32 $0x0, s20;
	[sflag:s22] =	ssyncset.done $0x0  }
0xa1: {  	[sflag:s22] =	ssyncadd.s32 s5;
	_ =	sdelay $0x1  }
0xa2: {  	s23 =	simm.s32 $0x1B8B  }
0xa3: {  	_ =	swait.ge [sflag:s23], $0x1  }
0xa4: {  	[sflag:s23] =	ssyncset.done $0x0  }
0xa5: {  	s25 =	simm.s32 $0x1B8E;
	s24 =	sld [smem:$0x3FFE];
	[sflag:s23] =	ssyncadd.s32 $0xFFFFFFFF  }
0xa6: {  	s26 =	simm.s32 $execute0_lowered;
	[smem:$0x3FD2] =	sst s25  }
0xa7: {  	s6 =	sshll.u32 s26, $0x1;
	_ =	strace $0x80000046;
	[dreg:$0x1] =	wrdreg $0xFFFFFFFF  }
0xa8: {  	s28 =	simm.s32 $_size_execute0_lowered;
	s4 =	sadd.s32 s4, s6;
	[dreg:$0x0] =	wrdreg $0x0  }
0xa9: {  	s6 =	sshll.u32 s28, $0x1;
	[dreg:$0x2] =	wrdreg s4  }
0xaa: {  	[dreg:$0x3] =	wrdreg s6  }
0xab: {  	[dreg:$0x4] =	wrdreg $0xC0  }
0xac: {  	_ =	task [dreg:s8], $0x5FFFF  }
0xad: {  	[dreg:$0x1] =	wrdreg $0xFFFFFFFF  }
0xae: {  	[dreg:$0x0] =	wrdreg $0x60  }
0xaf: {  	[dreg:$0x2] =	wrdreg s2  }
0xb0: {  	[dreg:$0x3] =	wrdreg s24  }
0xb1: {  	[dreg:$0x4] =	wrdreg s18  }
0xb2: {  	[dreg:$0x5] =	wrdreg $0x9  }
0xb3: {  	_ =	task.clear_ibuf [dreg:s8], $0x6FFFF;
	_ =	strace $0x90000046  }
0xb4: {  	s29 =	simm.s32 $0x9;
	_ =	strace $0x80000048  }
0xb5: {  	_ =	swait.ge [sflag:s29], $0x1  }
0xb6: {  	[sflag:s29] =	ssyncadd.s32 $0xFFFFFFFF  }
0xb7: {  	_ =	strace $0x90000048  }
0xb8: {  	_ =	sfence  }
0xb9: {  	s30 =	sld [smem:$0x0];
	_ =	sdelay $0x2  }
0xba: {  	s31 =	sshll.u32 s1, $0xD;
	s1 =	sshrl.u32 s1, $0x2  }
0xbb: {  	s3 =	sand.u32 $0x4000, s31;
	s1 =	sadd.s32 s1, s30  }
0xbc: {  	s0 =	sor.u32 s3, s0;
	s1 =	sshll.u32 s1, $0x11  }
0xbd: {  	s0 =	sor.u32 s1, s0  }
0xbe: {  	s0 =	sadd.s32 $0x8F2B, s0  }
0xbf: {  	[sflag:s0] =	ssyncadd.remote.s32 $0x1  }
0xc0: {  	_ =	sfence.sel $0xFFFF  }
0xc1: {  	[dreg:$0x0] =	wrdreg $0xFFFFFFFF;
	(pc) =	sbr.abs _section_cstart, $3  }
0xc2: {  	[dreg:$0x1] =	wrdreg $0xFFFFFFFF  }
0xc3: {  	_ =	task.clear_ibuf [dreg:s8], $0x2FFFF;
	_ =	strace $0x9FFFFFFF  }
0xc4: {  	(tm) =	ssettm $0x7FFFFFFF  }
0xc5: {  	_ =	shalt  }
tec
execute0_lowered:
.L_overlay_start_1:
0x0: {  	(tag) =	ssettag $0x1  }
0x1: {  	s1 =	rddreg [dreg:$0x0];
	s2 =	srdreg.scid  }
0x2: {  	s0 =	stileid.u32;
	s6 =	rddreg [dreg:$0x1]  }
0x3: {  	s3 =	rddreg [dreg:$0x2];
	s4 =	simm.s32 $0x0;
	s12 =	simm.s32 $0x200  }
0x4: {  	s13 =	simm.s32 $0x400;
	s14 =	simm.s32 $0x8400;
	s15 =	simm.s32 $0x1  }
0x5: {  	s16 =	simm.s32 $0x2;
	s17 =	simm.s32 $0x3;
	s18 =	simm.s32 $0x4  }
0x6: {  	s7 =	sand.u32 $0x1, s2;
	s31 =	sshll.u32 s0, $0x1;
	s2 =	rddreg [dreg:$0x3]  }
0x7: {  	s19 =	simm.s32 $0x0;
	[smem:$0x7FF] =	sst s4;
	s8 =	sor.u32 s7, s31  }
0x8: {  	s6 =	sadd.s32 $0x800, s6;
	s7 =	ssub.s32 $0x2, s7;
	s5 =	smul.u32 $0x19000, s8  }
0x9: {  	_ =	strace $0x80000047;
	s9 =	sshrl.u32 s7, $0x1;
	s8 =	smul.u32 $0x640000, s8  }
0xa: {  	s11 =	ssub.s32 s7, s9;
	s10 =	sshrl.u32 s5, $0x3;
	s9 =	sor.u32 $0x400, s5  }
0xb: {  	s7 =	sadd.s32 s1, s10;
	s10 =	smax.u32 s11, $0x1;
	s11 =	simm.s32 $0x5  }
.LBB2_1:
0xc: {  	[tilespmem:s4], [sflag:$0x5] =	stream.linear.gather [hbm4b:s7+s4], $0x200, $0x38;
	[tilespmem:$0x10400] =	vst v63  }
0xd: {  	_ =	swait.ge [sflag:s11], $0x200  }
0xe: {  	[sflag:s11] =	ssyncset.done $0x0  }
0xf: {  	s20 =	simm.s32 $0x0;
	[sflag:s11] =	ssyncadd.s32 $0xFFFFFE00  }
0x10: {  	[tilespmem:s13], [sflag:$0x1] =	stream.indirect.gather [hbm4b:s6+s12], $0x40, s4, s12, $0xb8;
	[tilespmem:$0x10400] =	vst v63  }
.LBB2_2:
0x11: {  	s21 =	sshllo.u32 s20, $0x1;
	p0 =	seq.s32 s20, $0x0  }
0x12: {  	s22 =	simm.s32 @!p0 $0x4;
	s23 =	sshll.u32 s21, $0x9  }
0x13: {  	_ =	swait.ge @!p0 [sflag:s22], $0x8000;
	s23 =	sadd.s32 s5, s23  }
0x14: {  	[sflag:s22] =	ssyncset.done @!p0 $0x0;
	s23 =	sshrl.u32 s23, $0x3  }
0x15: {  	[sflag:s22] =	ssyncadd.s32 @!p0 $0xFFFF8000;
	s31 =	sadd.s32 s1, s23  }
0x16: {  	[tilespmem:s12], [sflag:$0x5] =	stream.linear.gather [hbm4b:s31+s4], $0x200, $0x38;
	[tilespmem:$0x10400] =	vst v63  }
0x17: {  	_ =	swait.ge [sflag:s11], $0x200  }
0x18: {  	[sflag:s11] =	ssyncset.done $0x0  }
0x19: {  	[sflag:s11] =	ssyncadd.s32 $0xFFFFFE00  }
0x1a: {  	[tilespmem:s14], [sflag:$0x2] =	stream.indirect.gather [hbm4b:s6+s12], $0x40, s12, s12, $0xb8;
	[tilespmem:$0x10400] =	vst v63  }
0x1b: {  	_ =	swait.ge [sflag:s15], $0x8000  }
0x1c: {  	[sflag:s15] =	ssyncset.done $0x0  }
0x1d: {  	s22 =	simm.s32 $0x500;
	[sflag:s15] =	ssyncadd.s32 $0xFFFF8000  }
0x1e: {  	v0 =	vld [tilespmem:s22+$0xFFFFFF00]  }
0x1f: {  	v1 =	vld [tilespmem:s22+$0xFFFFFF10]  }
0x20: {  	v2 =	vld [tilespmem:s22+$0xFFFFFF20]  }
0x21: {  	v3 =	vld [tilespmem:s22+$0xFFFFFF30]  }
0x22: {  	v4 =	vld [tilespmem:s22+$0xFFFFFF40]  }
0x23: {  	v5 =	vld [tilespmem:s22+$0xFFFFFF50];
	v0 =	vmul.f32 $8.000000000e+00, v0  }
0x24: {  	v6 =	vld [tilespmem:s22+$0xFFFFFF60];
	v1 =	vmul.f32 $8.000000000e+00, v1  }
0x25: {  	[tilespmem:s22+$0xFFFFFF00] =	vst v0;
	v0 =	vmul.f32 $8.000000000e+00, v2;
	v2 =	vld [tilespmem:s22+$0xFFFFFF70]  }
0x26: {  	[tilespmem:s22+$0xFFFFFF10] =	vst v1;
	v1 =	vmul.f32 $8.000000000e+00, v3;
	v3 =	vld [tilespmem:s22+$0xFFFFFF80]  }
0x27: {  	[tilespmem:s22+$0xFFFFFF20] =	vst v0;
	v0 =	vmul.f32 $8.000000000e+00, v4;
	v4 =	vld [tilespmem:s22+$0xFFFFFF90]  }
0x28: {  	[tilespmem:s22+$0xFFFFFF30] =	vst v1;
	v1 =	vmul.f32 $8.000000000e+00, v5;
	v5 =	vld [tilespmem:s22+$0xFFFFFFA0]  }
0x29: {  	[tilespmem:s22+$0xFFFFFF40] =	vst v0;
	v0 =	vmul.f32 $8.000000000e+00, v6;
	v6 =	vld [tilespmem:s22+$0xFFFFFFB0]  }
0x2a: {  	[tilespmem:s22+$0xFFFFFF50] =	vst v1;
	v1 =	vmul.f32 $8.000000000e+00, v2;
	v2 =	vld [tilespmem:s22+$0xFFFFFFC0]  }
0x2b: {  	[tilespmem:s22+$0xFFFFFF60] =	vst v0;
	v0 =	vmul.f32 $8.000000000e+00, v3;
	v3 =	vld [tilespmem:s22+$0xFFFFFFD0]  }
0x2c: {  	[tilespmem:s22+$0xFFFFFF70] =	vst v1;
	v1 =	vmul.f32 $8.000000000e+00, v4;
	v4 =	vld [tilespmem:s22+$0xFFFFFFE0]  }
0x2d: {  	[tilespmem:s22+$0xFFFFFF80] =	vst v0;
	v0 =	vmul.f32 $8.000000000e+00, v5;
	v5 =	vld [tilespmem:s22+$0x0]  }
0x2e: {  	[tilespmem:s22+$0xFFFFFF90] =	vst v1;
	v1 =	vmul.f32 $8.000000000e+00, v6;
	v6 =	vld [tilespmem:s22+$0x10]  }
0x2f: {  	[tilespmem:s22+$0xFFFFFFA0] =	vst v0;
	v0 =	vmul.f32 $8.000000000e+00, v2;
	v2 =	vld [tilespmem:s22+$0x20]  }
0x30: {  	[tilespmem:s22+$0xFFFFFFB0] =	vst v1;
	v1 =	vmul.f32 $8.000000000e+00, v3;
	v3 =	vld [tilespmem:s22+$0x30]  }
0x31: {  	[tilespmem:s22+$0xFFFFFFC0] =	vst v0;
	v0 =	vmul.f32 $8.000000000e+00, v4;
	v4 =	vld [tilespmem:s22+$0x40]  }
0x32: {  	[tilespmem:s22+$0xFFFFFFD0] =	vst v1;
	v1 =	vmul.f32 $8.000000000e+00, v5;
	v5 =	vld [tilespmem:s22+$0x50]  }
0x33: {  	[tilespmem:s22+$0xFFFFFFE0] =	vst v0;
	v0 =	vmul.f32 $8.000000000e+00, v6;
	v6 =	vld [tilespmem:s22+$0x60]  }
0x34: {  	[tilespmem:s22+$0x0] =	vst v1;
	v1 =	vmul.f32 $8.000000000e+00, v2;
	v2 =	vld [tilespmem:s22+$0x70]  }
0x35: {  	[tilespmem:s22+$0x10] =	vst v0;
	v0 =	vmul.f32 $8.000000000e+00, v3;
	v3 =	vld [tilespmem:s22+$0x80]  }
0x36: {  	[tilespmem:s22+$0x20] =	vst v1;
	v1 =	vmul.f32 $8.000000000e+00, v4;
	v4 =	vld [tilespmem:s22+$0x90]  }
0x37: {  	[tilespmem:s22+$0x30] =	vst v0;
	v0 =	vmul.f32 $8.000000000e+00, v5;
	v5 =	vld [tilespmem:s22+$0xA0]  }
0x38: {  	[tilespmem:s22+$0x40] =	vst v1;
	v1 =	vmul.f32 $8.000000000e+00, v6;
	v6 =	vld [tilespmem:s22+$0xB0]  }
0x39: {  	[tilespmem:s22+$0x50] =	vst v0;
	v2 =	vmul.f32 $8.000000000e+00, v2;
	v0 =	vld [tilespmem:s22+$0xC0]  }
0x3a: {  	[tilespmem:s22+$0x60] =	vst v1;
	v3 =	vmul.f32 $8.000000000e+00, v3;
	v1 =	vld [tilespmem:s22+$0xD0]  }
0x3b: {  	[tilespmem:s22+$0x70] =	vst v2;
	v7 =	vmul.f32 $8.000000000e+00, v4;
	v2 =	vld [tilespmem:s22+$0xE0]  }
0x3c: {  	[tilespmem:s22+$0x80] =	vst v3;
	v3 =	vld [tilespmem:s22+$0xF0];
	v5 =	vmul.f32 $8.000000000e+00, v5  }
0x3d: {  	s24 =	simm.s32 $0x700;
	s23 =	simm.s32 $0x0;
	v4 =	vld [tilespmem:s22+$0xFFFFFFF0];
	[tilespmem:s22+$0x90] =	vst v7;
	v6 =	vmul.f32 $8.000000000e+00, v6  }
.LBB2_3:
0x3e: {  	v7 =	vld [tilespmem:s24+$0xFFFFFF00];
	[tilespmem:s22+$0xA0] =	vst v5;
	v0 =	vmul.f32 $8.000000000e+00, v0  }
0x3f: {  	v5 =	vld [tilespmem:s24+$0xFFFFFF10];
	[tilespmem:s22+$0xB0] =	vst v6;
	v1 =	vmul.f32 $8.000000000e+00, v1  }
0x40: {  	v6 =	vld [tilespmem:s24+$0xFFFFFF20];
	[tilespmem:s22+$0xC0] =	vst v0;
	v0 =	vmul.f32 $8.000000000e+00, v2  }
0x41: {  	v2 =	vld [tilespmem:s24+$0xFFFFFF30];
	[tilespmem:s22+$0xD0] =	vst v1;
	v1 =	vmul.f32 $8.000000000e+00, v3  }
0x42: {  	v3 =	vld [tilespmem:s24+$0xFFFFFF40];
	v4 =	vmul.f32 $8.000000000e+00, v4;
	[tilespmem:s22+$0xE0] =	vst v0  }
0x43: {  	v0 =	vmul.f32 $8.000000000e+00, v7;
	v7 =	vld [tilespmem:s24+$0xFFFFFF50];
	[tilespmem:s22+$0xF0] =	vst v1  }
0x44: {  	v1 =	vmul.f32 $8.000000000e+00, v5;
	v5 =	vld [tilespmem:s24+$0xFFFFFF60];
	[tilespmem:s22+$0xFFFFFFF0] =	vst v4;
	s22 =	smov.u32 s24  }
0x45: {  	[tilespmem:s24+$0xFFFFFF00] =	vst v0;
	v0 =	vmul.f32 $8.000000000e+00, v6;
	v4 =	vld [tilespmem:s24+$0xFFFFFF70]  }
0x46: {  	[tilespmem:s24+$0xFFFFFF10] =	vst v1;
	v1 =	vmul.f32 $8.000000000e+00, v2;
	v2 =	vld [tilespmem:s24+$0xFFFFFF80]  }
0x47: {  	[tilespmem:s24+$0xFFFFFF20] =	vst v0;
	v0 =	vmul.f32 $8.000000000e+00, v3;
	v3 =	vld [tilespmem:s24+$0xFFFFFF90]  }
0x48: {  	[tilespmem:s24+$0xFFFFFF30] =	vst v1;
	v1 =	vmul.f32 $8.000000000e+00, v7;
	v6 =	vld [tilespmem:s24+$0xFFFFFFA0]  }
0x49: {  	[tilespmem:s24+$0xFFFFFF40] =	vst v0;
	v0 =	vmul.f32 $8.000000000e+00, v5;
	v5 =	vld [tilespmem:s24+$0xFFFFFFB0]  }
0x4a: {  	[tilespmem:s24+$0xFFFFFF50] =	vst v1;
	v1 =	vmul.f32 $8.000000000e+00, v4;
	v4 =	vld [tilespmem:s24+$0xFFFFFFC0]  }
0x4b: {  	[tilespmem:s24+$0xFFFFFF60] =	vst v0;
	v0 =	vmul.f32 $8.000000000e+00, v2;
	v2 =	vld [tilespmem:s24+$0xFFFFFFD0]  }
0x4c: {  	[tilespmem:s24+$0xFFFFFF70] =	vst v1;
	v1 =	vmul.f32 $8.000000000e+00, v3;
	v3 =	vld [tilespmem:s24+$0xFFFFFFE0]  }
0x4d: {  	[tilespmem:s24+$0xFFFFFF80] =	vst v0;
	v0 =	vmul.f32 $8.000000000e+00, v6;
	v6 =	vld [tilespmem:s24+$0x0]  }
0x4e: {  	[tilespmem:s24+$0xFFFFFF90] =	vst v1;
	v1 =	vmul.f32 $8.000000000e+00, v5;
	v5 =	vld [tilespmem:s24+$0x10]  }
0x4f: {  	[tilespmem:s24+$0xFFFFFFA0] =	vst v0;
	v0 =	vmul.f32 $8.000000000e+00, v4;
	v4 =	vld [tilespmem:s24+$0x20]  }
0x50: {  	[tilespmem:s24+$0xFFFFFFB0] =	vst v1;
	v1 =	vmul.f32 $8.000000000e+00, v2;
	v2 =	vld [tilespmem:s24+$0x30]  }
0x51: {  	[tilespmem:s24+$0xFFFFFFC0] =	vst v0;
	v0 =	vmul.f32 $8.000000000e+00, v3;
	v3 =	vld [tilespmem:s24+$0x40]  }
0x52: {  	[tilespmem:s24+$0xFFFFFFD0] =	vst v1;
	v1 =	vmul.f32 $8.000000000e+00, v6;
	v6 =	vld [tilespmem:s24+$0x50]  }
0x53: {  	[tilespmem:s24+$0xFFFFFFE0] =	vst v0;
	v0 =	vmul.f32 $8.000000000e+00, v5;
	v5 =	vld [tilespmem:s24+$0x60]  }
0x54: {  	[tilespmem:s24+$0x0] =	vst v1;
	v1 =	vmul.f32 $8.000000000e+00, v4;
	v4 =	vld [tilespmem:s24+$0x70]  }
0x55: {  	[tilespmem:s24+$0x10] =	vst v0;
	v0 =	vmul.f32 $8.000000000e+00, v2;
	v2 =	vld [tilespmem:s24+$0x80]  }
0x56: {  	[tilespmem:s24+$0x20] =	vst v1;
	v1 =	vmul.f32 $8.000000000e+00, v3;
	v3 =	vld [tilespmem:s24+$0x90]  }
0x57: {  	s23 =	sadd.s32 $0x8, s23;
	[tilespmem:s24+$0x30] =	vst v0;
	v0 =	vmul.f32 $8.000000000e+00, v6;
	v6 =	vld [tilespmem:s24+$0xA0]  }
0x58: {  	p0 =	slt.u32 s23, $0x1F8;
	[tilespmem:s24+$0x40] =	vst v1;
	v1 =	vmul.f32 $8.000000000e+00, v5;
	v7 =	vld [tilespmem:s24+$0xB0]  }
.Ltmp0:
0x59: {  	[tilespmem:s24+$0x50] =	vst v0;
	v4 =	vmul.f32 $8.000000000e+00, v4;
	v0 =	vld [tilespmem:s24+$0xC0];
	(pc) =	sbr.rel @p0 .LBB2_3-.Ltmp0, $4  }
0x5a: {  	[tilespmem:s24+$0x60] =	vst v1;
	v5 =	vmul.f32 $8.000000000e+00, v2;
	v1 =	vld [tilespmem:s24+$0xD0]  }
0x5b: {  	[tilespmem:s24+$0x70] =	vst v4;
	v8 =	vmul.f32 $8.000000000e+00, v3;
	v2 =	vld [tilespmem:s24+$0xE0]  }
0x5c: {  	[tilespmem:s24+$0x80] =	vst v5;
	v5 =	vmul.f32 $8.000000000e+00, v6;
	v3 =	vld [tilespmem:s24+$0xF0]  }
0x5d: {  	s24 =	sadd.s32 $0x200, s24;
	v4 =	vld [tilespmem:s22+$0xFFFFFFF0];
	[tilespmem:s22+$0x90] =	vst v8;
	v6 =	vmul.f32 $8.000000000e+00, v7  }
0x5e: {  	[tilespmem:s22+$0xA0] =	vst v5;
	v0 =	vmul.f32 $8.000000000e+00, v0  }
0x5f: {  	[tilespmem:s22+$0xB0] =	vst v6;
	v1 =	vmul.f32 $8.000000000e+00, v1  }
0x60: {  	[tilespmem:s22+$0xC0] =	vst v0;
	v0 =	vmul.f32 $8.000000000e+00, v2  }
0x61: {  	s23 =	sshll.u32 s20, $0x10;
	[tilespmem:s22+$0xD0] =	vst v1;
	v1 =	vmul.f32 $8.000000000e+00, v3  }
0x62: {  	s23 =	sadd.s32 s8, s23;
	v2 =	vmul.f32 $8.000000000e+00, v4;
	[tilespmem:s22+$0xE0] =	vst v0  }
0x63: {  	p0 =	seq.s32 s20, $0x63;
	s23 =	sshrl.u32 s23, $0x3;
	[tilespmem:s22+$0xF0] =	vst v1  }
0x64: {  	s31 =	sadd.s32 s3, s23;
	s23 =	sshll.u32 @!p0 s20, $0xA;
	[tilespmem:s22+$0xFFFFFFF0] =	vst v2;
	s22 =	simm.s32 @!p0 $0x3  }
0x65: {  	[hbm4b:s31+s4] =	stream.linear.scatter [tilespmem:s13], [sflag:$0x3], $0x8000, $0x38;
	[tilespmem:$0x10400] =	vst v63  }
0x66: {  	s23 =	sadd.s32 @!p0 s23, s9;
	_ =	swait.ge @!p0 [sflag:s22], $0x8000  }
0x67: {  	s23 =	sshrl.u32 @!p0 s23, $0x3;
	[sflag:s22] =	ssyncset.done @!p0 $0x0  }
0x68: {  	[sflag:s22] =	ssyncadd.s32 @!p0 $0xFFFF8000;
	s22 =	sadd.s32 @!p0 s1, s23;
	s23 =	simm.s32 @!p0 $0x0  }
0x69: {  	[tilespmem:s23], [sflag:$0x5] =	stream.linear.gather @!p0 [hbm4b:s22+s23], $0x200, $0x38;
	[tilespmem:$0x10400] =	vst v63  }
0x6a: {  	s22 =	simm.s32 @!p0 $0x5  }
0x6b: {  	_ =	swait.ge @!p0 [sflag:s22], $0x200  }
0x6c: {  	[sflag:s22] =	ssyncset.done @!p0 $0x0  }
0x6d: {  	s24 =	simm.s32 @!p0 $0x400;
	[sflag:s22] =	ssyncadd.s32 @!p0 $0xFFFFFE00;
	s22 =	simm.s32 @!p0 $0x200  }
0x6e: {  	[tilespmem:s24], [sflag:$0x1] =	stream.indirect.gather @!p0 [hbm4b:s6+s22], $0x40, s23, s22, $0xb8;
	[tilespmem:$0x10400] =	vst v63  }
0x6f: {  	_ =	swait.ge [sflag:s16], $0x8000  }
0x70: {  	[sflag:s16] =	ssyncset.done $0x0  }
0x71: {  	s22 =	simm.s32 $0x8400;
	[sflag:s16] =	ssyncadd.s32 $0xFFFF8000  }
0x72: {  	v0 =	vld [tilespmem:s22+$0x1A0]  }
0x73: {  	v1 =	vld [tilespmem:s22+$0xA0]  }
0x74: {  	v2 =	vld [tilespmem:s22+$0x90]  }
0x75: {  	v3 =	vld [tilespmem:s22+$0x80]  }
0x76: {  	v4 =	vld [tilespmem:s22+$0xB0]  }
0x77: {  	v5 =	vld [tilespmem:s22+$0x70]  }
0x78: {  	v6 =	vld [tilespmem:s22+$0xC0]  }
0x79: {  	v12 =	vld [tilespmem:s22+$0x60]  }
0x7a: {  	v7 =	vld [tilespmem:s22+$0xD0]  }
0x7b: {  	v8 =	vld [tilespmem:s22+$0xE0]  }
0x7c: {  	v9 =	vld [tilespmem:s22+$0x1D0]  }
0x7d: {  	v10 =	vld [tilespmem:s22+$0x1E0]  }
0x7e: {  	v11 =	vld [tilespmem:s22+$0x0]  }
0x7f: {  	v13 =	vld [tilespmem:s22+$0xF0]  }
0x80: {  	v14 =	vld [tilespmem:s22+$0x100];
	v0 =	vmul.f32 $8.000000000e+00, v0  }
0x81: {  	v15 =	vld [tilespmem:s22+$0x110];
	v9 =	vmul.f32 $8.000000000e+00, v9  }
0x82: {  	v16 =	vld [tilespmem:s22+$0x120];
	v17 =	vmul.f32 $8.000000000e+00, v8;
	[tilespmem:s22+$0x1A0] =	vst v0  }
0x83: {  	v18 =	vld [tilespmem:s22+$0x30];
	v20 =	vmul.f32 $8.000000000e+00, v6;
	[tilespmem:s22+$0x1D0] =	vst v9  }
0x84: {  	v21 =	vld [tilespmem:s22+$0x10];
	v0 =	vmul.f32 $8.000000000e+00, v10;
	[tilespmem:s22+$0xE0] =	vst v17  }
0x85: {  	v10 =	vmul.f32 $8.000000000e+00, v11;
	v11 =	vld [tilespmem:s22+$0x130];
	[tilespmem:s22+$0xC0] =	vst v20  }
0x86: {  	v9 =	vmul.f32 $8.000000000e+00, v13;
	v13 =	vld [tilespmem:s22+$0x140];
	[tilespmem:s22+$0x1E0] =	vst v0  }
0x87: {  	[tilespmem:s22+$0x0] =	vst v10;
	v0 =	vmul.f32 $8.000000000e+00, v14;
	v10 =	vld [tilespmem:s22+$0x150]  }
0x88: {  	[tilespmem:s22+$0xF0] =	vst v9;
	v9 =	vmul.f32 $8.000000000e+00, v15;
	v14 =	vld [tilespmem:s22+$0x1F0]  }
0x89: {  	v8 =	vmul.f32 $8.000000000e+00, v1;
	v15 =	vld [tilespmem:s22+$0x50];
	[tilespmem:s22+$0x100] =	vst v0;
	v0 =	vmul.f32 $8.000000000e+00, v16  }
0x8a: {  	v19 =	vld [tilespmem:s22+$0x20];
	v6 =	vmul.f32 $8.000000000e+00, v12;
	[tilespmem:s22+$0x110] =	vst v9;
	v9 =	vmul.f32 $8.000000000e+00, v11  }
0x8b: {  	v22 =	vld [tilespmem:s22+$0x1B0];
	v1 =	vmul.f32 $8.000000000e+00, v21;
	[tilespmem:s22+$0x120] =	vst v0;
	v0 =	vmul.f32 $8.000000000e+00, v13  }
0x8c: {  	v16 =	vld [tilespmem:s22+$0x40];
	v13 =	vmul.f32 $8.000000000e+00, v7;
	[tilespmem:s22+$0x130] =	vst v9;
	v7 =	vmul.f32 $8.000000000e+00, v10  }
0x8d: {  	v11 =	vld [tilespmem:s22+$0x190];
	v9 =	vmul.f32 $8.000000000e+00, v2;
	v10 =	vmul.f32 $8.000000000e+00, v3;
	[tilespmem:s22+$0x140] =	vst v0  }
0x8e: {  	v12 =	vld [tilespmem:s22+$0x1C0];
	v3 =	vmul.f32 $8.000000000e+00, v15;
	v0 =	vmul.f32 $8.000000000e+00, v14;
	[tilespmem:s22+$0xD0] =	vst v13  }
0x8f: {  	v2 =	vmul.f32 $8.000000000e+00, v18;
	v14 =	vmul.f32 $8.000000000e+00, v4;
	v13 =	vld [tilespmem:s22+$0x180];
	[tilespmem:s22+$0x150] =	vst v7  }
0x90: {  	v15 =	vld [tilespmem:s22+$0x170];
	v4 =	vmul.f32 $8.000000000e+00, v19;
	v7 =	vmul.f32 $8.000000000e+00, v5;
	[tilespmem:s22+$0x1F0] =	vst v0  }
0x91: {  	s23 =	simm.s32 $0x0;
	s24 =	simm.s32 $0x8600;
	v5 =	vmul.f32 $8.000000000e+00, v22;
	v0 =	vmul.f32 $8.000000000e+00, v16;
	[tilespmem:s22+$0xB0] =	vst v14;
	v14 =	vld [tilespmem:s22+$0x160]  }
.LBB2_5:
0x92: {  	v16 =	vld [tilespmem:s24+$0x1A0];
	s23 =	sadd.s32 $0x8, s23;
	[tilespmem:s22+$0xA0] =	vst v8;
	v8 =	vmul.f32 $8.000000000e+00, v11  }
0x93: {  	v11 =	vld [tilespmem:s24+$0xA0];
	p0 =	slt.u32 s23, $0x1F8;
	[tilespmem:s22+$0x90] =	vst v9;
	v9 =	vmul.f32 $8.000000000e+00, v12  }
0x94: {  	v12 =	vld [tilespmem:s24+$0x90];
	[tilespmem:s22+$0x80] =	vst v10;
	v10 =	vmul.f32 $8.000000000e+00, v13  }
0x95: {  	v13 =	vld [tilespmem:s24+$0x80];
	v15 =	vmul.f32 $8.000000000e+00, v15;
	[tilespmem:s22+$0x1C0] =	vst v9  }
0x96: {  	v9 =	vld [tilespmem:s24+$0xB0];
	[tilespmem:s22+$0x70] =	vst v7;
	v7 =	vmul.f32 $8.000000000e+00, v14  }
0x97: {  	v14 =	vld [tilespmem:s24+$0x70];
	v16 =	vmul.f32 $8.000000000e+00, v16;
	[tilespmem:s22+$0x180] =	vst v10  }
0x98: {  	v10 =	vld [tilespmem:s24+$0xC0];
	[tilespmem:s22+$0x60] =	vst v6  }
0x99: {  	v6 =	vld [tilespmem:s24+$0x60];
	[tilespmem:s22+$0x170] =	vst v15  }
0x9a: {  	v15 =	vld [tilespmem:s24+$0xD0];
	[tilespmem:s22+$0x50] =	vst v3  }
0x9b: {  	v3 =	vld [tilespmem:s24+$0xE0];
	[tilespmem:s22+$0x160] =	vst v7  }
0x9c: {  	v7 =	vld [tilespmem:s24+$0x1D0];
	[tilespmem:s22+$0x40] =	vst v0  }
0x9d: {  	v0 =	vld [tilespmem:s24+$0x1E0];
	[tilespmem:s22+$0x30] =	vst v2  }
0x9e: {  	v2 =	vld [tilespmem:s24+$0x0];
	[tilespmem:s22+$0x20] =	vst v4  }
0x9f: {  	v4 =	vld [tilespmem:s24+$0xF0];
	[tilespmem:s22+$0x190] =	vst v8  }
0xa0: {  	v8 =	vld [tilespmem:s24+$0x100];
	[tilespmem:s22+$0x10] =	vst v1  }
0xa1: {  	v1 =	vld [tilespmem:s24+$0x110];
	v7 =	vmul.f32 $8.000000000e+00, v7;
	[tilespmem:s22+$0x1B0] =	vst v5;
	s22 =	smov.u32 s24  }
0xa2: {  	v5 =	vld [tilespmem:s24+$0x120];
	[tilespmem:s24+$0x1A0] =	vst v16;
	v0 =	vmul.f32 $8.000000000e+00, v0  }
0xa3: {  	v16 =	vmul.f32 $8.000000000e+00, v3;
	v2 =	vmul.f32 $8.000000000e+00, v2;
	v3 =	vld [tilespmem:s24+$0x130];
	[tilespmem:s24+$0x1D0] =	vst v7  }
0xa4: {  	v15 =	vmul.f32 $8.000000000e+00, v15;
	v4 =	vmul.f32 $8.000000000e+00, v4;
	v7 =	vld [tilespmem:s24+$0x140];
	[tilespmem:s24+$0x1E0] =	vst v0  }
0xa5: {  	v17 =	vmul.f32 $8.000000000e+00, v10;
	[tilespmem:s24+$0x0] =	vst v2;
	v0 =	vmul.f32 $8.000000000e+00, v8;
	v2 =	vld [tilespmem:s24+$0x150]  }
0xa6: {  	v18 =	vmul.f32 $8.000000000e+00, v9;
	[tilespmem:s24+$0xF0] =	vst v4;
	v1 =	vmul.f32 $8.000000000e+00, v1;
	v4 =	vld [tilespmem:s24+$0x1F0]  }
0xa7: {  	v8 =	vmul.f32 $8.000000000e+00, v11;
	v19 =	vld [tilespmem:s24+$0x50];
	[tilespmem:s24+$0x100] =	vst v0;
	v0 =	vmul.f32 $8.000000000e+00, v5  }
0xa8: {  	v9 =	vmul.f32 $8.000000000e+00, v12;
	v5 =	vld [tilespmem:s24+$0x40];
	[tilespmem:s24+$0x110] =	vst v1;
	v1 =	vmul.f32 $8.000000000e+00, v3  }
0xa9: {  	v10 =	vmul.f32 $8.000000000e+00, v13;
	v12 =	vld [tilespmem:s24+$0x30];
	[tilespmem:s24+$0x120] =	vst v0;
	v0 =	vmul.f32 $8.000000000e+00, v7  }
0xaa: {  	v7 =	vmul.f32 $8.000000000e+00, v14;
	v13 =	vld [tilespmem:s24+$0x20];
	[tilespmem:s24+$0x130] =	vst v1;
	v1 =	vmul.f32 $8.000000000e+00, v2  }
0xab: {  	v6 =	vmul.f32 $8.000000000e+00, v6;
	v14 =	vld [tilespmem:s24+$0x10];
	[tilespmem:s24+$0x140] =	vst v0;
	v2 =	vmul.f32 $8.000000000e+00, v4  }
0xac: {  	v3 =	vmul.f32 $8.000000000e+00, v19;
	[tilespmem:s24+$0x150] =	vst v1;
	v19 =	vld [tilespmem:s24+$0x1B0]  }
.Ltmp1:
0xad: {  	v0 =	vmul.f32 $8.000000000e+00, v5;
	v11 =	vld [tilespmem:s24+$0x190];
	[tilespmem:s24+$0x1F0] =	vst v2;
	(pc) =	sbr.rel @p0 .LBB2_5-.Ltmp1, $4  }
0xae: {  	v2 =	vmul.f32 $8.000000000e+00, v12;
	[tilespmem:s24+$0xE0] =	vst v16;
	v12 =	vld [tilespmem:s24+$0x1C0]  }
0xaf: {  	v4 =	vmul.f32 $8.000000000e+00, v13;
	[tilespmem:s24+$0xD0] =	vst v15;
	v13 =	vld [tilespmem:s24+$0x180]  }
0xb0: {  	v1 =	vmul.f32 $8.000000000e+00, v14;
	[tilespmem:s24+$0xC0] =	vst v17;
	v15 =	vld [tilespmem:s24+$0x170]  }
0xb1: {  	s24 =	sadd.s32 $0x200, s24;
	[tilespmem:s22+$0xB0] =	vst v18;
	v14 =	vld [tilespmem:s22+$0x160];
	v5 =	vmul.f32 $8.000000000e+00, v19  }
0xb2: {  	[tilespmem:s22+$0xA0] =	vst v8  }
0xb3: {  	[tilespmem:s22+$0x90] =	vst v9  }
0xb4: {  	[tilespmem:s22+$0x80] =	vst v10  }
0xb5: {  	[tilespmem:s22+$0x70] =	vst v7  }
0xb6: {  	[tilespmem:s22+$0x60] =	vst v6  }
0xb7: {  	[tilespmem:s22+$0x50] =	vst v3  }
0xb8: {  	[tilespmem:s22+$0x40] =	vst v0  }
0xb9: {  	[tilespmem:s22+$0x30] =	vst v2  }
0xba: {  	[tilespmem:s22+$0x20] =	vst v4  }
0xbb: {  	v63 =	vmul.f32 $8.000000000e+00, v11;
	[tilespmem:s22+$0x10] =	vst v1  }
0xbc: {  	s20 =	sadd.s32 $0x1, s20;
	v59 =	vmul.f32 $8.000000000e+00, v12;
	[tilespmem:s22+$0x1B0] =	vst v5  }
0xbd: {  	p0 =	sne.s32 s20, $0x64;
	v60 =	vmul.f32 $8.000000000e+00, v13;
	[tilespmem:s22+$0x190] =	vst v63  }
.Ltmp2:
0xbe: {  	s21 =	sshll.u32 s21, $0xF;
	[tilespmem:s22+$0x1C0] =	vst v59;
	v61 =	vmul.f32 $8.000000000e+00, v15;
	(pc) =	sbr.rel @p0 .LBB2_2-.Ltmp2, $4  }
0xbf: {  	s21 =	sadd.s32 s8, s21;
	[tilespmem:s22+$0x180] =	vst v60;
	v62 =	vmul.f32 $8.000000000e+00, v14  }
0xc0: {  	s21 =	sshrl.u32 s21, $0x3;
	[tilespmem:s22+$0x170] =	vst v61  }
0xc1: {  	s21 =	sadd.s32 s3, s21;
	[tilespmem:s22+$0x160] =	vst v62  }
0xc2: {  	[hbm4b:s21+s4] =	stream.linear.scatter [tilespmem:s14], [sflag:$0x4], $0x8000, $0x38;
	[tilespmem:$0x10400] =	vst v63  }
0xc3: {  	s19 =	sadd.s32 $0x1, s19  }
0xc4: {  	_ =	swait.ge [sflag:s17], $0x8000;
	p0 =	sne.s32 s19, s10  }
.Ltmp3:
0xc5: {  	[sflag:s17] =	ssyncset.done $0x0;
	(pc) =	sbr.rel @p0 .LBB2_1-.Ltmp3, $4  }
0xc6: {  	[sflag:s17] =	ssyncadd.s32 $0xFFFF8000  }
0xc7: {  	_ =	swait.ge [sflag:s18], $0x8000  }
0xc8: {  	[sflag:s18] =	ssyncset.done $0x0  }
0xc9: {  	[sflag:s18] =	ssyncadd.s32 $0xFFFF8000  }
0xca: {  	_ =	sfence.sel $0x180000  }
0xcb: {  	[bflag:$0x0] =	sbarrier.arrive $0xFFFF  }
0xcc: {  	p0 =	sne.s32 s0, $0x0;
	_ =	strace $0x90000047  }
0xcd: {  	s0 =	sadd.s32 @!p0 $0x100000, s2;
	[bflag:$0x2] =	sbarrier.arrive $0xFFFF  }
0xce: {  	[sflag:s0] =	ssyncadd.tile.s32 @!p0 $0x1;
	_ =	shalt  }
.Lfunc_end2:
_tile_overlayer_lowered:
.L_overlay_start_2:
0xcf: {  	(tag) =	ssettag $0x2  }
0xd0: {  	s0 =	rddreg [dreg:$0x0];
	s2 =	stileid.u32  }
0xd1: {  	s1 =	rddreg [dreg:$0x1];
	p0 =	sne.s32 s2, $0x0  }
0xd2: {  	s3 =	rddreg [dreg:$0x2];
	[bflag:$0x3] =	sbarrier.arrive $0xFFFF;
	s2 =	simm.s32 @!p0 $0x1C05  }
0xd3: {  	[timem:s3], [sflag:s2] =	dma.local @!p0 [hbm:s0], s1  }
0xd4: {  	s0 =	simm.s32 @!p0 $0x5  }
0xd5: {  	_ =	swait.ge @!p0 [sflag:s0], s1  }
0xd6: {  	s1 =	ssub.s32 @!p0 $0x0, s1;
	[sflag:s0] =	ssyncset.done @!p0 $0x0  }
0xd7: {  	[sflag:s0] =	ssyncadd.s32 @!p0 s1  }
0xd8: {  	[bflag:$0x3] =	sbarrier.arrive $0xFFFF  }
0xd9: {  	_ =	shalt  }

// kernel: sparse-core-data-format-call.cloned.1.call-start
scs
called_computation_lowered:
.L_overlay_start_0:
0x0: {  	s2 =	sld [smem:$0x3FD9]  }
0x1: {  	s3 =	sld [smem:$0x3FFE];
	_ =	sdelay $0x1  }
0x2: {  	s1 =	srdreg.scid  }
0x3: {  	s0 =	sand.u32 $0x1, s1  }
0x4: {  	s18 =	sshll.u32 s0, $0xA;
	s2 =	sadd.s32 s3, s2  }
0x5: {  	s2 =	sadd.s32 s2, s18  }
0x6: {  	[smem:$0x3FC6] =	sst s2  }
0x7: {  	_ = 	snop  }
0x8: {  	s2 =	sld [smem:$0x3FD0];
	(tm) =	ssettm $0x1  }
0x9: {  	s19 =	sld [smem:$0x3FFB];
	_ =	sdelay $0x3  }
0xa: {  	_ =	strace s19  }
0xb: {  	s3 =	sld [smem:$0x3FFC];
	_ =	sdelay $0x3  }
0xc: {  	_ =	strace s3  }
0xd: {  	s3 =	sld [smem:$0x3FFD];
	_ =	sdelay $0x3  }
0xe: {  	_ =	strace s3  }
0xf: {  	_ =	strace $0x8FFFFFFF  }
0x10: {  	s20 =	sld [smem:$0x3FDB];
	_ =	sdelay $0x1  }
0x11: {  	s4 =	simm.s32 $_scs_section_size  }
0x12: {  	s5 =	simm.s32 $_size__tile_overlayer_lowered;
	s6 =	simm.s32 $_tile_overlayer_lowered  }
0x13: {  	s23 =	simm.s32 $0x1BFF;
	s22 =	sshll.u32 s6, $0x1;
	s3 =	sadd.s32 s4, s20  }
0x14: {  	s7 =	simm.s32 $0x0;
	s21 =	sshll.u32 s5, $0x1;
	s5 =	sadd.s32 s22, s3  }
0x15: {  	[timem:s7], [sflag:s23] =	dma.local [hbm:s5], s21  }
0x16: {  	_ =	swait.ge [sflag:s23], s21  }
0x17: {  	s4 =	ssub.s32 $0x0, s21;
	[sflag:s23] =	ssyncset.done $0x0  }
0x18: {  	[sflag:s23] =	ssyncadd.s32 s4;
	_ =	sdelay $0x1  }
0x19: {  	s24 =	simm.s32 $0x1B8B  }
0x1a: {  	_ =	swait.ge [sflag:s24], $0x1  }
0x1b: {  	[sflag:s24] =	ssyncset.done $0x0  }
0x1c: {  	s26 =	simm.s32 $0x1B8E;
	s25 =	sld [smem:$0x3FFE];
	[sflag:s24] =	ssyncadd.s32 $0xFFFFFFFF  }
0x1d: {  	s27 =	simm.s32 $execute0_lowered;
	[smem:$0x3FD2] =	sst s26  }
0x1e: {  	s5 =	sshll.u32 s27, $0x1;
	_ =	strace $0x80000049;
	[dreg:$0x1] =	wrdreg $0xFFFFFFFF  }
0x1f: {  	s28 =	simm.s32 $_size_execute0_lowered;
	s3 =	sadd.s32 s3, s5;
	[dreg:$0x0] =	wrdreg $0x0  }
0x20: {  	s5 =	sshll.u32 s28, $0x1;
	[dreg:$0x2] =	wrdreg s3  }
0x21: {  	[dreg:$0x3] =	wrdreg s5  }
0x22: {  	[dreg:$0x4] =	wrdreg $0xC0  }
0x23: {  	_ =	task [dreg:s7], $0x5FFFF  }
0x24: {  	[dreg:$0x1] =	wrdreg $0xFFFFFFFF  }
0x25: {  	[dreg:$0x0] =	wrdreg $0x60  }
0x26: {  	[dreg:$0x2] =	wrdreg s25  }
0x27: {  	[dreg:$0x3] =	wrdreg s2  }
0x28: {  	[dreg:$0x4] =	wrdreg $0x9  }
0x29: {  	_ =	task.clear_ibuf [dreg:s7], $0x5FFFF;
	_ =	strace $0x90000049  }
0x2a: {  	s29 =	simm.s32 $0x9;
	_ =	strace $0x8000004B  }
0x2b: {  	_ =	swait.ge [sflag:s29], $0x1  }
0x2c: {  	[sflag:s29] =	ssyncadd.s32 $0xFFFFFFFF  }
0x2d: {  	_ =	strace $0x9000004B  }
0x2e: {  	_ =	sfence  }
0x2f: {  	s30 =	sld [smem:$0x0];
	_ =	sdelay $0x2  }
0x30: {  	s31 =	sshll.u32 s1, $0xD;
	s1 =	sshrl.u32 s1, $0x2  }
0x31: {  	s3 =	sand.u32 $0x4000, s31;
	s1 =	sadd.s32 s1, s30  }
0x32: {  	s0 =	sor.u32 s3, s0;
	s1 =	sshll.u32 s1, $0x11  }
0x33: {  	s0 =	sor.u32 s1, s0  }
0x34: {  	s0 =	sadd.s32 $0x8F2B, s0  }
0x35: {  	[sflag:s0] =	ssyncadd.remote.s32 $0x1  }
0x36: {  	_ =	sfence.sel $0xFFFF  }
0x37: {  	[dreg:$0x0] =	wrdreg $0xFFFFFFFF;
	(pc) =	sbr.abs _section_cstart, $3  }
0x38: {  	[dreg:$0x1] =	wrdreg $0xFFFFFFFF  }
0x39: {  	_ =	task.clear_ibuf [dreg:s7], $0x2FFFF;
	_ =	strace $0x9FFFFFFF  }
0x3a: {  	(tm) =	ssettm $0x7FFFFFFF  }
0x3b: {  	_ =	shalt  }
tec
execute0_lowered:
.L_overlay_start_1:
0x0: {  	(tag) =	ssettag $0x1  }
0x1: {  	s0 =	srdreg.scid  }
0x2: {  	s1 =	sshll.u32 s0, $0x4  }
0x3: {  	s4 =	rddreg [dreg:$0x0];
	s0 =	stileid.u32;
	s1 =	sand.u32 $0x10, s1  }
0x4: {  	s2 =	rddreg [dreg:$0x1];
	s7 =	simm.s32 $0x1;
	s1 =	sor.u32 s0, s1  }
0x5: {  	s8 =	simm.s32 $0x2;
	s11 =	simm.s32 $0x0;
	s3 =	sshll.u32 s1, $0x7  }
0x6: {  	s10 =	simm.s32 $0x0;
	s4 =	sadd.s32 $0x800, s4;
	s6 =	ssub.s32 $0x320000, s3  }
.Ltmp0:
0x7: {  	s1 =	rddreg [dreg:$0x2];
	s5 =	sand.u32 $0xF80, s6;
	(pc) =	sbr.rel .LBB1_1-.Ltmp0, $4  }
0x8: {  	_ =	strace $0x8000004A;
	s9 =	smov.u32 s3;
	p0 =	sne.s32 s5, $0x0  }
0x9: {  	s6 =	sshrl.u32 s6, $0xC;
	s5 =	simm.s32 $0x1;
	s7 =	simm.s32 @!p0 $0x0  }
0xa: {  	[sflag:s5] =	ssyncpa.u1 $0x0;
	p0 =	por $0x0, $0x0;
	s6 =	sadd.s32 s7, s6  }
0xb: {  	[sflag:s8] =	ssyncpa.u1 $0x0;
	s8 =	simm.s32 $0x1900000;
	s7 =	sadd.s32 $0x1, s6  }
.LBB1_4:
0xc: {  	s14 =	sshll.u32 s11, $0x3  }
0xd: {  	s30 =	sand.u32 $0x7F, s11;
	s15 =	sand.u32 $0xFFFFFC00, s14  }
0xe: {  	s11 =	sor.u32 s30, s15  }
0xf: {  	s15 =	smulhi.u32 $0x51EB851F, s11  }
0x10: {  	s14 =	smulhi.u32 $0x51EB851F, s14  }
0x11: {  	s15 =	sshrl.u32 s15, $0x14  }
0x12: {  	s14 =	sshrl.u32 s14, $0x14;
	s15 =	smul.u32 $0x320000, s15  }
0x13: {  	s14 =	sand.u32 $0x3F, s14  }
0x14: {  	s14 =	smul.u32 $0x64000, s14;
	s11 =	ssub.s32 s11, s15  }
0x15: {  	[tilespmem:s13+$0x810 ss:$0x81] =	vst.msk $0xffff, v2;
	s15 =	sand.u32 $0x7, s11  }
0x16: {  	[tilespmem:s13+$0x1020 ss:$0x81] =	vst.msk $0xffff, v0;
	s14 =	sadd.s32 s2, s14;
	s11 =	sshrl.u32 s11, $0x3;
	s15 =	sshll.u32 s15, $0x12  }
0x17: {  	[tilespmem:s13+$0x0 ss:$0x81] =	vst.msk $0xffff, v1;
	s11 =	sadd.s32 s11, s14;
	s31 =	sor.u32 $0x400, s15  }
0x18: {  	[hbm4b:s11+s31] =	stream.strided.scatter [tilespmem:s12], [sflag:$0x2], $0x2000, s8, s31, $0x20;
	[tilespmem:$0x8080] =	vst v63  }
.LBB1_5:
0x19: {  	s13 =	sadd.s32 $0x1000, s9  }
0x1a: {  	p2 =	sgt.s32 s13, $0x31FFFF  }
0x1b: {  	s13 =	smov.u32 @p2 s3;
	p2 =	sne.s32 s10, s7  }
.Ltmp1:
0x1c: {  	p1 =	slt.u32 s10, $0x2;
	(pc) =	sbr.rel @!p2 .LBB1_6-.Ltmp1, $4  }
0x1d: {  	s12 =	simm.s32 @!p1 $0x2  }
0x1e: {  	s14 =	sadd.s32 $0x1, s10;
	_ =	swait.ge @!p1 [sflag:s12], $0x2000  }
0x1f: {  	s11 =	smov.u32 s9;
	p0 =	por !p0, !p0;
	[sflag:s12] =	ssyncset.done @!p1 $0x0  }
0x20: {  	s10 =	smov.u32 s14;
	s9 =	smov.u32 s13;
	[sflag:s12] =	ssyncadd.s32 @!p1 $0xFFFFE000  }
.LBB1_1:
0x21: {  	p1 =	sge.u32 s10, s6  }
0x22: {  	s12 =	sand.u32 @!p1 $0x1FFFFFF, s9  }
0x23: {  	s13 =	smulhi.u32 @!p1 $0x147AE15, s12;
	_ =	sdelay $0x1  }
0x24: {  	s13 =	sshrl.u32 @!p1 s13, $0xE  }
0x25: {  	s13 =	smul.u32 @!p1 $0x320000, s13;
	_ =	sdelay $0x1  }
0x26: {  	s31 =	sadd.s32 $0xFFFFFFFF, s10;
	s14 =	sxor.u32 @!p1 $0xFFFFFFFF, s10;
	s12 =	ssub.s32 @!p1 s12, s13  }
0x27: {  	s15 =	simm.s32 @!p1 $0x80;
	s14 =	sshll.u32 @!p1 s14, $0xD;
	s12 =	sshll.u32 @!p1 s12, $0x4  }
0x28: {  	s13 =	sand.u32 @!p1 $0x2000, s14;
	s14 =	simm.s32 @!p1 $0x40;
	s12 =	sadd.s32 @!p1 s4, s12  }
0x29: {  	[tilespmem:s13], [sflag:$0x1] =	stream.strided.gather @!p1 [hbm4b:s12+s14], $0x2000, s15, s14, $0x38;
	[tilespmem:$0x8080] =	vst v63  }
0x2a: {  	p1 =	sge.u32 s31, s6  }
.Ltmp2:
0x2b: {  	_ = 	snop;
	(pc) =	sbr.rel @p1 .LBB1_5-.Ltmp2, $1  }
0x2c: {  	_ =	sdelay $0x3  }
0x2d: {  	s12 =	simm.s32 $0x1  }
0x2e: {  	_ =	swait.ge [sflag:s5], $0x2000;
	s12 =	simm.s32 @!p0 $0x0  }
0x2f: {  	[sflag:s5] =	ssyncset.done $0x0;
	s13 =	sshll.u32 s12, $0xD  }
0x30: {  	[sflag:s5] =	ssyncadd.s32 $0xFFFFE000;
	s16 =	sor.u32 $0x20, s13  }
0x31: {  	s12 =	smul.u32 $0x8100, s12;
	v3 =	vld [tilespmem:s16+$0x10]  }
0x32: {  	s30 =	sand.u32 $0x1, s10;
	v2 =	vld [tilespmem:s16+$0xFFFFFFF0]  }
0x33: {  	s13 =	smul.u32 $0x8100, s30;
	s12 =	sshrl.u32 s12, $0x2;
	v0 =	vld [tilespmem:s16+$0x0]  }
0x34: {  	v1 =	vld [tilespmem:s16+$0xFFFFFFE0];
	s14 =	sor.u32 $0x4000, s12  }
0x35: {  	s31 =	sshrl.u32 s13, $0x2;
	s13 =	sadd.s32 $0x0, s14  }
0x36: {  	s15 =	simm.s32 $0x4;
	s16 =	sadd.s32 $0x40, s16;
	s12 =	sor.u32 $0x4000, s31;
	[tilespmem:s13+$0x1830 ss:$0x81] =	vst.msk $0xffff, v3  }
.LBB1_3:
0x37: {  	v3 =	vld [tilespmem:s16+$0x10];
	p1 =	sne.s32 s15, $0x1FC;
	[tilespmem:s13+$0x810 ss:$0x81] =	vst.msk $0xffff, v2;
	s17 =	smov.u32 s15;
	s15 =	sadd.s32 $0x4, s15  }
.Ltmp3:
0x38: {  	v2 =	vld [tilespmem:s16+$0xFFFFFFF0];
	[tilespmem:s13+$0x1020 ss:$0x81] =	vst.msk $0xffff, v0;
	(pc) =	sbr.rel @p1 .LBB1_3-.Ltmp3, $4  }
0x39: {  	v0 =	vld [tilespmem:s16+$0x0];
	[tilespmem:s13+$0x0 ss:$0x81] =	vst.msk $0xffff, v1  }
0x3a: {  	s13 =	sshra.s32 s17, $0x2;
	v1 =	vld [tilespmem:s16+$0xFFFFFFE0]  }
0x3b: {  	s13 =	sadd.s32 s13, s14  }
0x3c: {  	s16 =	sadd.s32 $0x40, s16;
	[tilespmem:s13+$0x1830 ss:$0x81] =	vst.msk $0xffff, v3  }
.Ltmp4:
0x3d: {  	_ = 	snop;
	(pc) =	sbr.rel .LBB1_4-.Ltmp4, $1  }
0x3e: {  	_ =	sdelay $0x3  }
.LBB1_6:
0x3f: {  	_ =	sfence.sel $0x180000  }
0x40: {  	s2 =	simm.s32 $0x1;
	[bflag:$0x0] =	sbarrier.arrive $0xFFFF  }
0x41: {  	s31 =	simm.s32 $0x2;
	[sflag:s2] =	ssyncpa.u1 $0x1  }
0x42: {  	[sflag:s31] =	ssyncpa.u1 $0x1  }
0x43: {  	p0 =	sne.s32 s0, $0x0;
	_ =	strace $0x9000004A  }
0x44: {  	s0 =	sadd.s32 @!p0 $0x100000, s1;
	[bflag:$0x2] =	sbarrier.arrive $0xFFFF  }
0x45: {  	[sflag:s0] =	ssyncadd.tile.s32 @!p0 $0x1;
	_ =	shalt  }
.Lfunc_end1:
_tile_overlayer_lowered:
.L_overlay_start_2:
0x46: {  	(tag) =	ssettag $0x2  }
0x47: {  	s0 =	rddreg [dreg:$0x0];
	s2 =	stileid.u32  }
0x48: {  	s1 =	rddreg [dreg:$0x1];
	p0 =	sne.s32 s2, $0x0  }
0x49: {  	s3 =	rddreg [dreg:$0x2];
	[bflag:$0x3] =	sbarrier.arrive $0xFFFF;
	s2 =	simm.s32 @!p0 $0x1C01  }
0x4a: {  	[timem:s3], [sflag:s2] =	dma.local @!p0 [hbm:s0], s1  }
0x4b: {  	s0 =	simm.s32 @!p0 $0x1  }
0x4c: {  	_ =	swait.ge @!p0 [sflag:s0], s1  }
0x4d: {  	s1 =	ssub.s32 @!p0 $0x0, s1;
	[sflag:s0] =	ssyncset.done @!p0 $0x0  }
0x4e: {  	[sflag:s0] =	ssyncadd.s32 @!p0 s1  }
0x4f: {  	[bflag:$0x3] =	sbarrier.arrive $0xFFFF  }
0x50: {  	_ =	shalt  }

</sc_bundles>
